<compile_context>
chip_gen: v7x
topology: tpu7x:2x2x1
jax: 0.10.2.dev20260603
libtpu: 0.0.44.dev20260713+nightly
codegen_flags: <defaults>
</compile_context>

<pallas_src>
import jax
import jax.numpy as jnp
from jax import lax
from jax.experimental import pallas as pl
from jax.experimental.pallas import tpu as pltpu
from jax.experimental.pallas import tpu_sc as plsc

N = 10000
NP = 10240
E = 320000
NW = 32
CH = 128
NCH = 80
EP = NW * NCH * CH
RPS = NP // 16
BM = 1024

_mesh = plsc.VectorSubcoreMesh(core_axis_name="c", subcore_axis_name="s")
_sc_params = pltpu.CompilerParams(use_tc_tiling_on_sc=False,
                                  internal_scratch_in_bytes=0)



def _deg_body(src_hbm, dst_hbm, ones_hbm, zeros_hbm, dsrc_hbm, ddst_hbm,
              src_idx, dst_idx, ones_v, hist_src, hist_dst):
    cid = lax.axis_index("c")
    sid = lax.axis_index("s")
    wid = sid * 2 + cid
    pltpu.sync_copy(src_hbm.at[wid], src_idx)
    pltpu.sync_copy(dst_hbm.at[wid], dst_idx)
    pltpu.sync_copy(ones_hbm, ones_v)
    base = sid * RPS
    pltpu.sync_copy(zeros_hbm, hist_src.at[pl.ds(base, RPS)])
    pltpu.sync_copy(zeros_hbm, hist_dst.at[pl.ds(base, RPS)])
    plsc.subcore_barrier()

    @pl.loop(0, NCH)
    def _(j):
        pltpu.sync_copy(ones_v, hist_src.at[src_idx.at[j]], add=True)
        pltpu.sync_copy(ones_v, hist_dst.at[dst_idx.at[j]], add=True)

    plsc.subcore_barrier()
    out = cid * NP + base
    pltpu.sync_copy(hist_src.at[pl.ds(base, RPS)], dsrc_hbm.at[pl.ds(out, RPS)])
    pltpu.sync_copy(hist_dst.at[pl.ds(base, RPS)], ddst_hbm.at[pl.ds(out, RPS)])


def _degrees(src_p, dst_p, ones16, zeros16):
    fn = pl.kernel(
        _deg_body,
        out_type=[jax.ShapeDtypeStruct((2 * NP, 16), jnp.float32)] * 2,
        mesh=_mesh,
        scratch_types=[
            pltpu.VMEM((NCH, CH), jnp.int32),
            pltpu.VMEM((NCH, CH), jnp.int32),
            pltpu.VMEM((CH, 16), jnp.float32),
            pltpu.VMEM_SHARED((NP, 16), jnp.float32),
            pltpu.VMEM_SHARED((NP, 16), jnp.float32),
        ],
        compiler_params=_sc_params,
    )
    return fn(src_p, dst_p, ones16, zeros16)


def _make_scatter_body():
    D = 64

    def body(h_hbm, src_hbm, dst_hbm, zeros_hbm, out_hbm,
             src_idx, dst_idx, rows, operand, acc, sem):
        cid = lax.axis_index("c")
        sid = lax.axis_index("s")
        wid = sid * 2 + cid
        pltpu.sync_copy(src_hbm.at[wid], src_idx)
        pltpu.sync_copy(dst_hbm.at[wid], dst_idx)
        base = sid * RPS
        pltpu.sync_copy(zeros_hbm, acc.at[pl.ds(base, RPS)])
        pltpu.sync_copy(h_hbm.at[pl.ds(base, RPS)],
                        operand.at[pl.ds(base, RPS)])
        plsc.subcore_barrier()

        pltpu.async_copy(operand.at[src_idx.at[0]], rows.at[0], sem).wait()

        @pl.loop(0, NCH - 1)
        def _(j):
            nxt = pltpu.async_copy(operand.at[src_idx.at[j + 1]],
                                   rows.at[(j + 1) % 2], sem)
            pltpu.sync_copy(rows.at[j % 2], acc.at[dst_idx.at[j]], add=True)
            nxt.wait()

        pltpu.sync_copy(rows.at[(NCH - 1) % 2], acc.at[dst_idx.at[NCH - 1]],
                        add=True)
        plsc.subcore_barrier()
        pltpu.sync_copy(acc.at[pl.ds(base, RPS)],
                        out_hbm.at[pl.ds(cid * NP + base, RPS)])
    return body


def _scatter_pass(h, src_p, dst_p, zeros):
    fn = pl.kernel(
        _make_scatter_body(),
        out_type=jax.ShapeDtypeStruct((2 * NP, 64), jnp.float32),
        mesh=_mesh,
        scratch_types=[
            pltpu.VMEM((NCH, CH), jnp.int32),
            pltpu.VMEM((NCH, CH), jnp.int32),
            pltpu.VMEM((2, CH, 64), jnp.float32),
            pltpu.VMEM_SHARED((NP, 64), jnp.float32),
            pltpu.VMEM_SHARED((NP, 64), jnp.float32),
            pltpu.SemaphoreType.DMA,
        ],
        compiler_params=_sc_params,
    )
    return fn(h, src_p, dst_p, zeros)



def _mm_body(x_ref, w_ref, o_ref):
    o_ref[...] = jnp.dot(x_ref[...], w_ref[...],
                         preferred_element_type=jnp.float32)


def _matmul(x, w):
    k, m = w.shape
    return pl.pallas_call(
        _mm_body,
        grid=(NP // BM,),
        in_specs=[pl.BlockSpec((BM, k), lambda i: (i, 0)),
                  pl.BlockSpec((k, m), lambda i: (0, 0))],
        out_specs=pl.BlockSpec((BM, m), lambda i: (i, 0)),
        out_shape=jax.ShapeDtypeStruct((NP, m), jnp.float32),
    )(x, w)


def _norm(d_ref):
    deg = d_ref[0, :, 0:1] + d_ref[1, :, 0:1]
    return lax.rsqrt(jnp.maximum(deg, 1.0))


def _scale_body(p_ref, d_ref, lo_ref, hi_ref):
    h = p_ref[...] * _norm(d_ref)
    lo_ref[...] = h[:, :64]
    hi_ref[...] = h[:, 64:]


def _scale(p, dsrc):
    return pl.pallas_call(
        _scale_body,
        grid=(NP // BM,),
        in_specs=[pl.BlockSpec((BM, 128), lambda i: (i, 0)),
                  pl.BlockSpec((2, BM, 16), lambda i: (0, i, 0))],
        out_specs=[pl.BlockSpec((BM, 64), lambda i: (i, 0)),
                   pl.BlockSpec((BM, 64), lambda i: (i, 0))],
        out_shape=[jax.ShapeDtypeStruct((NP, 64), jnp.float32)] * 2,
    )(p, dsrc)


def _mid_body(plo_ref, phi_ref, dd_ref, ds_ref, b1_ref, w2_ref, o_ref):
    agg = jnp.concatenate([plo_ref[0] + plo_ref[1],
                           phi_ref[0] + phi_ref[1]], axis=1)
    h1 = jnp.maximum(agg * _norm(dd_ref) + b1_ref[...], 0.0)
    p2 = jnp.dot(h1, w2_ref[...], preferred_element_type=jnp.float32)
    o_ref[...] = p2 * _norm(ds_ref)


def _mid(parts_lo, parts_hi, ddst, dsrc, b1, W2):
    return pl.pallas_call(
        _mid_body,
        grid=(NP // BM,),
        in_specs=[pl.BlockSpec((2, BM, 64), lambda i: (0, i, 0)),
                  pl.BlockSpec((2, BM, 64), lambda i: (0, i, 0)),
                  pl.BlockSpec((2, BM, 16), lambda i: (0, i, 0)),
                  pl.BlockSpec((2, BM, 16), lambda i: (0, i, 0)),
                  pl.BlockSpec((1, 128), lambda i: (0, 0)),
                  pl.BlockSpec((128, 64), lambda i: (0, 0))],
        out_specs=pl.BlockSpec((BM, 64), lambda i: (i, 0)),
        out_shape=jax.ShapeDtypeStruct((NP, 64), jnp.float32),
    )(parts_lo, parts_hi, ddst, dsrc, b1, W2)


def _fin_body(pa_ref, dd_ref, b2_ref, o_ref):
    agg = pa_ref[0] + pa_ref[1]
    o_ref[...] = agg * _norm(dd_ref) + b2_ref[...]


def _fin(parts, ddst, b2):
    return pl.pallas_call(
        _fin_body,
        grid=(NP // BM,),
        in_specs=[pl.BlockSpec((2, BM, 64), lambda i: (0, i, 0)),
                  pl.BlockSpec((2, BM, 16), lambda i: (0, i, 0)),
                  pl.BlockSpec((1, 64), lambda i: (0, 0))],
        out_specs=pl.BlockSpec((BM, 64), lambda i: (i, 0)),
        out_shape=jax.ShapeDtypeStruct((NP, 64), jnp.float32),
    )(parts, ddst, b2)



def kernel(x, edge_index, W1, b1, W2, b2):
    src = edge_index[0]
    dst = edge_index[1]
    pad = N + jax.lax.rem(jnp.arange(EP - E, dtype=jnp.int32),
                          jnp.int32(NP - N))
    src_p = jnp.concatenate([src, pad]).reshape(NW, NCH, CH)
    dst_p = jnp.concatenate([dst, pad]).reshape(NW, NCH, CH)
    x_pad = jnp.pad(x, ((0, NP - N), (0, 0)))

    ones16 = jnp.ones((CH, 16), jnp.float32)
    zeros16 = jnp.zeros((RPS, 16), jnp.float32)
    zeros64 = jnp.zeros((RPS, 64), jnp.float32)

    dsrc, ddst = _degrees(src_p, dst_p, ones16, zeros16)
    dsrc = dsrc.reshape(2, NP, 16)
    ddst = ddst.reshape(2, NP, 16)

    p1 = _matmul(x_pad, W1)
    h_lo, h_hi = _scale(p1, dsrc)

    parts_lo = _scatter_pass(h_lo, src_p, dst_p, zeros64).reshape(2, NP, 64)
    parts_hi = _scatter_pass(h_hi, src_p, dst_p, zeros64).reshape(2, NP, 64)
    h2 = _mid(parts_lo, parts_hi, ddst, dsrc, b1.reshape(1, 128), W2)

    parts2 = _scatter_pass(h2, src_p, dst_p, zeros64).reshape(2, NP, 64)
    out = _fin(parts2, ddst, b2.reshape(1, 64))
    return out[:N]

# --- scband reference (transcript-rebuilt; emitter-appended) ---
"""Pipeline reference for scband-gcnmodel-57604101374268 (READ-ONLY COPY).

The authoritative reference and input builder live on the scoring server;
editing this copy changes nothing except your own understanding.
"""

import jax, jax.numpy as jnp
import numpy as np

N = 10000
E = 320000
D_IN = 128
D_H = 128
D_OUT = 64


def setup_inputs(seed: int = 0) -> dict:
    key = jax.random.key(seed)
    ks = jax.random.split(key, 4)
    x = jax.random.normal(ks[0], (N, D_IN), dtype=jnp.float32)
    edge_index = jax.random.randint(ks[1], (2, E), 0, N, dtype=jnp.int32)
    W1 = jax.random.normal(ks[2], (D_IN, D_H), dtype=jnp.float32) / np.sqrt(D_IN)
    b1 = jnp.zeros((D_H,), dtype=jnp.float32)
    W2 = jax.random.normal(ks[3], (D_H, D_OUT), dtype=jnp.float32) / np.sqrt(D_H)
    b2 = jnp.zeros((D_OUT,), dtype=jnp.float32)
    return {"x": x, "edge_index": edge_index, "W1": W1, "b1": b1, "W2": W2, "b2": b2}


def _gcn_layer(h, W, b, src, dst):
    # DGL GraphConv with norm='both':
    #   h' = D_in^{-1/2} * A @ (D_out^{-1/2} * h W) + b
    ones = jnp.ones((src.shape[0],), dtype=h.dtype)
    out_deg = jax.ops.segment_sum(ones, src, num_segments=N)
    in_deg = jax.ops.segment_sum(ones, dst, num_segments=N)
    norm_src = jax.lax.rsqrt(jnp.maximum(out_deg, 1.0))
    norm_dst = jax.lax.rsqrt(jnp.maximum(in_deg, 1.0))
    h = h * norm_src[:, None]
    h = h @ W
    msg = jnp.take(h, src, axis=0)
    agg = jax.ops.segment_sum(msg, dst, num_segments=N)
    return agg * norm_dst[:, None] + b


def reference(x, edge_index, W1, b1, W2, b2):
    src = edge_index[0]
    dst = edge_index[1]
    h = _gcn_layer(x, W1, b1, src, dst)
    h = jax.nn.relu(h)
    # dropout is identity at inference (training=False)
    h = _gcn_layer(h, W2, b2, src, dst)
    return h

if __name__ == "__main__":
    import jax
    _d = setup_inputs()
    print(jax.jit(kernel)(*tuple(_d.values())))

</pallas_src>

<mosaic_0001>
#map = affine_map<(d0, d1) -> (0, 0, 0)>
#map1 = affine_map<(d0, d1) -> (0, 0)>
module attributes {stable_mosaic.version = 14 : i64} {
  func.func @_deg_body(%arg0: i32, %arg1: i32, %arg2: memref<32x80x128xi32, #tpu.memory_space<hbm>>, %arg3: memref<32x80x128xi32, #tpu.memory_space<hbm>>, %arg4: memref<128x16xf32, #tpu.memory_space<hbm>>, %arg5: memref<640x16xf32, #tpu.memory_space<hbm>>, %arg6: memref<20480x16xf32, #tpu.memory_space<hbm>>, %arg7: memref<20480x16xf32, #tpu.memory_space<hbm>>, %arg8: memref<80x128xi32, #tpu.memory_space<vmem>>, %arg9: memref<80x128xi32, #tpu.memory_space<vmem>>, %arg10: memref<128x16xf32, #tpu.memory_space<vmem>>, %arg11: memref<10240x16xf32, #tpu.memory_space<vmem_shared>>, %arg12: memref<10240x16xf32, #tpu.memory_space<vmem_shared>>) attributes {dimension_semantics = [#tpu.dimension_semantics<core_parallel>, #tpu.dimension_semantics<subcore_parallel>], iteration_bounds = array<i64: 2, 16>, scalar_prefetch = 0 : i64, scratch_operands = 5 : i64, tpu.core_type = #tpu.core_type<sc_vector_subcore>, window_params = [{transform_indices = #map}, {transform_indices = #map}, {transform_indices = #map1}, {transform_indices = #map1}, {transform_indices = #map1}, {transform_indices = #map1}]} {
    %mul3A = arith.constant 2 : i32
    %mul3A_0 = arith.muli %arg1, %mul3A : i32
    %add3A = arith.addi %mul3A_0, %arg0 : i32
    "tpu.region"() ({
      %run_scoped3A = tpu.sem_alloc : memref<!tpu.dma_semaphore, #tpu.memory_space<semaphore_mem>>
      %dma_start3A = arith.constant 0 : i32
      %dma_start3A_11 = arith.constant 0 : i32
      %dma_start3A_12 = tpu.memref_slice %arg2[%add3A, %dma_start3A, %dma_start3A_11] : memref<32x80x128xi32, #tpu.memory_space<hbm>> -> memref<1x80x128xi32, #tpu.memory_space<hbm>>
      %dma_start3A_13 = tpu.memref_squeeze %dma_start3A_12 : memref<1x80x128xi32, #tpu.memory_space<hbm>> -> memref<80x128xi32, #tpu.memory_space<hbm>>
      %dma_start3A_14 = arith.constant 0 : i32
      %dma_start3A_15 = arith.constant 0 : i32
      %dma_start3A_16 = tpu.memref_slice %arg2[%add3A, %dma_start3A_14, %dma_start3A_15] : memref<32x80x128xi32, #tpu.memory_space<hbm>> -> memref<1x80x128xi32, #tpu.memory_space<hbm>>
      %dma_start3A_17 = tpu.memref_squeeze %dma_start3A_16 : memref<1x80x128xi32, #tpu.memory_space<hbm>> -> memref<80x128xi32, #tpu.memory_space<hbm>>
      tpu.enqueue_dma source(%dma_start3A_17 : memref<80x128xi32, #tpu.memory_space<hbm>>) target(%arg8 : memref<80x128xi32, #tpu.memory_space<vmem>>) target_semaphore(%run_scoped3A : memref<!tpu.dma_semaphore, #tpu.memory_space<semaphore_mem>>)
      %dma_wait3A = arith.constant 0 : i32
      %dma_wait3A_18 = arith.constant 0 : i32
      %dma_wait3A_19 = tpu.memref_slice %arg2[%add3A, %dma_wait3A, %dma_wait3A_18] : memref<32x80x128xi32, #tpu.memory_space<hbm>> -> memref<1x80x128xi32, #tpu.memory_space<hbm>>
      %dma_wait3A_20 = tpu.memref_squeeze %dma_wait3A_19 : memref<1x80x128xi32, #tpu.memory_space<hbm>> -> memref<80x128xi32, #tpu.memory_space<hbm>>
      %dma_wait3A_21 = arith.constant 0 : i32
      %dma_wait3A_22 = arith.constant 0 : i32
      %dma_wait3A_23 = tpu.memref_slice %arg2[%add3A, %dma_wait3A_21, %dma_wait3A_22] : memref<32x80x128xi32, #tpu.memory_space<hbm>> -> memref<1x80x128xi32, #tpu.memory_space<hbm>>
      %dma_wait3A_24 = tpu.memref_squeeze %dma_wait3A_23 : memref<1x80x128xi32, #tpu.memory_space<hbm>> -> memref<80x128xi32, #tpu.memory_space<hbm>>
      tpu.wait_dma2 semaphore(%run_scoped3A : memref<!tpu.dma_semaphore, #tpu.memory_space<semaphore_mem>>) src(%dma_wait3A_24 : memref<80x128xi32, #tpu.memory_space<hbm>>) dst(%arg8 : memref<80x128xi32, #tpu.memory_space<vmem>>)
      tpu.yield
    }) : () -> ()
    "tpu.region"() ({
      %run_scoped3A = tpu.sem_alloc : memref<!tpu.dma_semaphore, #tpu.memory_space<semaphore_mem>>
      %dma_start3A = arith.constant 0 : i32
      %dma_start3A_11 = arith.constant 0 : i32
      %dma_start3A_12 = tpu.memref_slice %arg3[%add3A, %dma_start3A, %dma_start3A_11] : memref<32x80x128xi32, #tpu.memory_space<hbm>> -> memref<1x80x128xi32, #tpu.memory_space<hbm>>
      %dma_start3A_13 = tpu.memref_squeeze %dma_start3A_12 : memref<1x80x128xi32, #tpu.memory_space<hbm>> -> memref<80x128xi32, #tpu.memory_space<hbm>>
      %dma_start3A_14 = arith.constant 0 : i32
      %dma_start3A_15 = arith.constant 0 : i32
      %dma_start3A_16 = tpu.memref_slice %arg3[%add3A, %dma_start3A_14, %dma_start3A_15] : memref<32x80x128xi32, #tpu.memory_space<hbm>> -> memref<1x80x128xi32, #tpu.memory_space<hbm>>
      %dma_start3A_17 = tpu.memref_squeeze %dma_start3A_16 : memref<1x80x128xi32, #tpu.memory_space<hbm>> -> memref<80x128xi32, #tpu.memory_space<hbm>>
      tpu.enqueue_dma source(%dma_start3A_17 : memref<80x128xi32, #tpu.memory_space<hbm>>) target(%arg9 : memref<80x128xi32, #tpu.memory_space<vmem>>) target_semaphore(%run_scoped3A : memref<!tpu.dma_semaphore, #tpu.memory_space<semaphore_mem>>)
      %dma_wait3A = arith.constant 0 : i32
      %dma_wait3A_18 = arith.constant 0 : i32
      %dma_wait3A_19 = tpu.memref_slice %arg3[%add3A, %dma_wait3A, %dma_wait3A_18] : memref<32x80x128xi32, #tpu.memory_space<hbm>> -> memref<1x80x128xi32, #tpu.memory_space<hbm>>
      %dma_wait3A_20 = tpu.memref_squeeze %dma_wait3A_19 : memref<1x80x128xi32, #tpu.memory_space<hbm>> -> memref<80x128xi32, #tpu.memory_space<hbm>>
      %dma_wait3A_21 = arith.constant 0 : i32
      %dma_wait3A_22 = arith.constant 0 : i32
      %dma_wait3A_23 = tpu.memref_slice %arg3[%add3A, %dma_wait3A_21, %dma_wait3A_22] : memref<32x80x128xi32, #tpu.memory_space<hbm>> -> memref<1x80x128xi32, #tpu.memory_space<hbm>>
      %dma_wait3A_24 = tpu.memref_squeeze %dma_wait3A_23 : memref<1x80x128xi32, #tpu.memory_space<hbm>> -> memref<80x128xi32, #tpu.memory_space<hbm>>
      tpu.wait_dma2 semaphore(%run_scoped3A : memref<!tpu.dma_semaphore, #tpu.memory_space<semaphore_mem>>) src(%dma_wait3A_24 : memref<80x128xi32, #tpu.memory_space<hbm>>) dst(%arg9 : memref<80x128xi32, #tpu.memory_space<vmem>>)
      tpu.yield
    }) : () -> ()
    "tpu.region"() ({
      %run_scoped3A = tpu.sem_alloc : memref<!tpu.dma_semaphore, #tpu.memory_space<semaphore_mem>>
      tpu.enqueue_dma source(%arg4 : memref<128x16xf32, #tpu.memory_space<hbm>>) target(%arg10 : memref<128x16xf32, #tpu.memory_space<vmem>>) target_semaphore(%run_scoped3A : memref<!tpu.dma_semaphore, #tpu.memory_space<semaphore_mem>>)
      tpu.wait_dma2 semaphore(%run_scoped3A : memref<!tpu.dma_semaphore, #tpu.memory_space<semaphore_mem>>) src(%arg4 : memref<128x16xf32, #tpu.memory_space<hbm>>) dst(%arg10 : memref<128x16xf32, #tpu.memory_space<vmem>>)
      tpu.yield
    }) : () -> ()
    %mul3A_1 = arith.constant 640 : i32
    %mul3A_2 = arith.muli %arg1, %mul3A_1 : i32
    "tpu.region"() ({
      %run_scoped3A = tpu.sem_alloc : memref<!tpu.dma_semaphore, #tpu.memory_space<semaphore_mem>>
      %dma_start3A = arith.constant 0 : i32
      %dma_start3A_11 = tpu.memref_slice %arg11[%mul3A_2, %dma_start3A] : memref<10240x16xf32, #tpu.memory_space<vmem_shared>> -> memref<640x16xf32, #tpu.memory_space<vmem_shared>>
      tpu.enqueue_dma source(%arg5 : memref<640x16xf32, #tpu.memory_space<hbm>>) target(%dma_start3A_11 : memref<640x16xf32, #tpu.memory_space<vmem_shared>>) target_semaphore(%run_scoped3A : memref<!tpu.dma_semaphore, #tpu.memory_space<semaphore_mem>>)
      %dma_wait3A = arith.constant 0 : i32
      %dma_wait3A_12 = tpu.memref_slice %arg11[%mul3A_2, %dma_wait3A] : memref<10240x16xf32, #tpu.memory_space<vmem_shared>> -> memref<640x16xf32, #tpu.memory_space<vmem_shared>>
      tpu.wait_dma2 semaphore(%run_scoped3A : memref<!tpu.dma_semaphore, #tpu.memory_space<semaphore_mem>>) src(%arg5 : memref<640x16xf32, #tpu.memory_space<hbm>>) dst(%dma_wait3A_12 : memref<640x16xf32, #tpu.memory_space<vmem_shared>>)
      tpu.yield
    }) : () -> ()
    "tpu.region"() ({
      %run_scoped3A = tpu.sem_alloc : memref<!tpu.dma_semaphore, #tpu.memory_space<semaphore_mem>>
      %dma_start3A = arith.constant 0 : i32
      %dma_start3A_11 = tpu.memref_slice %arg12[%mul3A_2, %dma_start3A] : memref<10240x16xf32, #tpu.memory_space<vmem_shared>> -> memref<640x16xf32, #tpu.memory_space<vmem_shared>>
      tpu.enqueue_dma source(%arg5 : memref<640x16xf32, #tpu.memory_space<hbm>>) target(%dma_start3A_11 : memref<640x16xf32, #tpu.memory_space<vmem_shared>>) target_semaphore(%run_scoped3A : memref<!tpu.dma_semaphore, #tpu.memory_space<semaphore_mem>>)
      %dma_wait3A = arith.constant 0 : i32
      %dma_wait3A_12 = tpu.memref_slice %arg12[%mul3A_2, %dma_wait3A] : memref<10240x16xf32, #tpu.memory_space<vmem_shared>> -> memref<640x16xf32, #tpu.memory_space<vmem_shared>>
      tpu.wait_dma2 semaphore(%run_scoped3A : memref<!tpu.dma_semaphore, #tpu.memory_space<semaphore_mem>>) src(%arg5 : memref<640x16xf32, #tpu.memory_space<hbm>>) dst(%dma_wait3A_12 : memref<640x16xf32, #tpu.memory_space<vmem_shared>>)
      tpu.yield
    }) : () -> ()
    %barrier3A = arith.constant 0 : index
    tpu.barrier barrier_id(%barrier3A)
    %scan3A = arith.constant 0 : i32
    %scan3A_3 = arith.constant 80 : i32
    %scan3A_4 = arith.addi %scan3A, %scan3A_3 : i32
    %scan3A_5 = arith.constant 1 : i32
    scf.for %scan3A_11 = %scan3A to %scan3A_4 step %scan3A_5  : i32 {
      %mul3A_12 = arith.constant 1 : i32
      %mul3A_13 = arith.muli %scan3A_11, %mul3A_12 : i32
      %add3A_14 = arith.constant 0 : i32
      %add3A_15 = arith.addi %add3A_14, %mul3A_13 : i32
      "tpu.region"() ({
        %run_scoped3A = tpu.sem_alloc : memref<!tpu.dma_semaphore, #tpu.memory_space<semaphore_mem>>
        %dma_start3A = arith.constant 0 : i32
        %dma_start3A_16 = tpu.memref_slice %arg8[%add3A_15, %dma_start3A] : memref<80x128xi32, #tpu.memory_space<vmem>> -> memref<1x128xi32, #tpu.memory_space<vmem>>
        %dma_start3A_17 = tpu.memref_squeeze %dma_start3A_16 : memref<1x128xi32, #tpu.memory_space<vmem>> -> memref<128xi32, #tpu.memory_space<vmem>>
        %dma_start3A_18 = arith.constant 0 : i32
        %dma_start3A_19 = arith.constant 0 : i32
        %dma_start3A_20 = tpu.memref_slice %arg11[%dma_start3A_18, %dma_start3A_19] : memref<10240x16xf32, #tpu.memory_space<vmem_shared>> -> memref<10240x16xf32, #tpu.memory_space<vmem_shared>>
        tpu.enqueue_indirect_dma source(%arg10 : memref<128x16xf32, #tpu.memory_space<vmem>>) target(%dma_start3A_20 : memref<10240x16xf32, #tpu.memory_space<vmem_shared>>) offsets(%dma_start3A_17 : memref<128xi32, #tpu.memory_space<vmem>>) semaphore(%run_scoped3A : memref<!tpu.dma_semaphore, #tpu.memory_space<semaphore_mem>>) {add = true}
        %dma_wait3A = arith.constant 0 : i32
        %dma_wait3A_21 = tpu.memref_slice %arg8[%add3A_15, %dma_wait3A] : memref<80x128xi32, #tpu.memory_space<vmem>> -> memref<1x128xi32, #tpu.memory_space<vmem>>
        %dma_wait3A_22 = tpu.memref_squeeze %dma_wait3A_21 : memref<1x128xi32, #tpu.memory_space<vmem>> -> memref<128xi32, #tpu.memory_space<vmem>>
        %dma_wait3A_23 = arith.constant 0 : i32
        %dma_wait3A_24 = arith.constant 0 : i32
        %dma_wait3A_25 = tpu.memref_slice %arg11[%dma_wait3A_23, %dma_wait3A_24] : memref<10240x16xf32, #tpu.memory_space<vmem_shared>> -> memref<10240x16xf32, #tpu.memory_space<vmem_shared>>
        tpu.wait_indirect_dma semaphore(%run_scoped3A : memref<!tpu.dma_semaphore, #tpu.memory_space<semaphore_mem>>) src(%arg10 : memref<128x16xf32, #tpu.memory_space<vmem>>) dst(%dma_wait3A_25 : memref<10240x16xf32, #tpu.memory_space<vmem_shared>>)
        tpu.yield
      }) : () -> ()
      "tpu.region"() ({
        %run_scoped3A = tpu.sem_alloc : memref<!tpu.dma_semaphore, #tpu.memory_space<semaphore_mem>>
        %dma_start3A = arith.constant 0 : i32
        %dma_start3A_16 = tpu.memref_slice %arg9[%add3A_15, %dma_start3A] : memref<80x128xi32, #tpu.memory_space<vmem>> -> memref<1x128xi32, #tpu.memory_space<vmem>>
        %dma_start3A_17 = tpu.memref_squeeze %dma_start3A_16 : memref<1x128xi32, #tpu.memory_space<vmem>> -> memref<128xi32, #tpu.memory_space<vmem>>
        %dma_start3A_18 = arith.constant 0 : i32
        %dma_start3A_19 = arith.constant 0 : i32
        %dma_start3A_20 = tpu.memref_slice %arg12[%dma_start3A_18, %dma_start3A_19] : memref<10240x16xf32, #tpu.memory_space<vmem_shared>> -> memref<10240x16xf32, #tpu.memory_space<vmem_shared>>
        tpu.enqueue_indirect_dma source(%arg10 : memref<128x16xf32, #tpu.memory_space<vmem>>) target(%dma_start3A_20 : memref<10240x16xf32, #tpu.memory_space<vmem_shared>>) offsets(%dma_start3A_17 : memref<128xi32, #tpu.memory_space<vmem>>) semaphore(%run_scoped3A : memref<!tpu.dma_semaphore, #tpu.memory_space<semaphore_mem>>) {add = true}
        %dma_wait3A = arith.constant 0 : i32
        %dma_wait3A_21 = tpu.memref_slice %arg9[%add3A_15, %dma_wait3A] : memref<80x128xi32, #tpu.memory_space<vmem>> -> memref<1x128xi32, #tpu.memory_space<vmem>>
        %dma_wait3A_22 = tpu.memref_squeeze %dma_wait3A_21 : memref<1x128xi32, #tpu.memory_space<vmem>> -> memref<128xi32, #tpu.memory_space<vmem>>
        %dma_wait3A_23 = arith.constant 0 : i32
        %dma_wait3A_24 = arith.constant 0 : i32
        %dma_wait3A_25 = tpu.memref_slice %arg12[%dma_wait3A_23, %dma_wait3A_24] : memref<10240x16xf32, #tpu.memory_space<vmem_shared>> -> memref<10240x16xf32, #tpu.memory_space<vmem_shared>>
        tpu.wait_indirect_dma semaphore(%run_scoped3A : memref<!tpu.dma_semaphore, #tpu.memory_space<semaphore_mem>>) src(%arg10 : memref<128x16xf32, #tpu.memory_space<vmem>>) dst(%dma_wait3A_25 : memref<10240x16xf32, #tpu.memory_space<vmem_shared>>)
        tpu.yield
      }) : () -> ()
    }
    %scan3A_6 = arith.constant 80 : i32
    %barrier3A_7 = arith.constant 0 : index
    tpu.barrier barrier_id(%barrier3A_7)
    %mul3A_8 = arith.constant 10240 : i32
    %mul3A_9 = arith.muli %arg0, %mul3A_8 : i32
    %add3A_10 = arith.addi %mul3A_9, %mul3A_2 : i32
    "tpu.region"() ({
      %run_scoped3A = tpu.sem_alloc : memref<!tpu.dma_semaphore, #tpu.memory_space<semaphore_mem>>
      %dma_start3A = arith.constant 0 : i32
      %dma_start3A_11 = tpu.memref_slice %arg6[%add3A_10, %dma_start3A] : memref<20480x16xf32, #tpu.memory_space<hbm>> -> memref<640x16xf32, #tpu.memory_space<hbm>>
      %dma_start3A_12 = arith.constant 0 : i32
      %dma_start3A_13 = tpu.memref_slice %arg11[%mul3A_2, %dma_start3A_12] : memref<10240x16xf32, #tpu.memory_space<vmem_shared>> -> memref<640x16xf32, #tpu.memory_space<vmem_shared>>
      tpu.enqueue_dma source(%dma_start3A_13 : memref<640x16xf32, #tpu.memory_space<vmem_shared>>) target(%dma_start3A_11 : memref<640x16xf32, #tpu.memory_space<hbm>>) target_semaphore(%run_scoped3A : memref<!tpu.dma_semaphore, #tpu.memory_space<semaphore_mem>>)
      %dma_wait3A = arith.constant 0 : i32
      %dma_wait3A_14 = tpu.memref_slice %arg6[%add3A_10, %dma_wait3A] : memref<20480x16xf32, #tpu.memory_space<hbm>> -> memref<640x16xf32, #tpu.memory_space<hbm>>
      %dma_wait3A_15 = arith.constant 0 : i32
      %dma_wait3A_16 = tpu.memref_slice %arg11[%mul3A_2, %dma_wait3A_15] : memref<10240x16xf32, #tpu.memory_space<vmem_shared>> -> memref<640x16xf32, #tpu.memory_space<vmem_shared>>
      tpu.wait_dma2 semaphore(%run_scoped3A : memref<!tpu.dma_semaphore, #tpu.memory_space<semaphore_mem>>) src(%dma_wait3A_16 : memref<640x16xf32, #tpu.memory_space<vmem_shared>>) dst(%dma_wait3A_14 : memref<640x16xf32, #tpu.memory_space<hbm>>)
      tpu.yield
    }) : () -> ()
    "tpu.region"() ({
      %run_scoped3A = tpu.sem_alloc : memref<!tpu.dma_semaphore, #tpu.memory_space<semaphore_mem>>
      %dma_start3A = arith.constant 0 : i32
      %dma_start3A_11 = tpu.memref_slice %arg7[%add3A_10, %dma_start3A] : memref<20480x16xf32, #tpu.memory_space<hbm>> -> memref<640x16xf32, #tpu.memory_space<hbm>>
      %dma_start3A_12 = arith.constant 0 : i32
      %dma_start3A_13 = tpu.memref_slice %arg12[%mul3A_2, %dma_start3A_12] : memref<10240x16xf32, #tpu.memory_space<vmem_shared>> -> memref<640x16xf32, #tpu.memory_space<vmem_shared>>
      tpu.enqueue_dma source(%dma_start3A_13 : memref<640x16xf32, #tpu.memory_space<vmem_shared>>) target(%dma_start3A_11 : memref<640x16xf32, #tpu.memory_space<hbm>>) target_semaphore(%run_scoped3A : memref<!tpu.dma_semaphore, #tpu.memory_space<semaphore_mem>>)
      %dma_wait3A = arith.constant 0 : i32
      %dma_wait3A_14 = tpu.memref_slice %arg7[%add3A_10, %dma_wait3A] : memref<20480x16xf32, #tpu.memory_space<hbm>> -> memref<640x16xf32, #tpu.memory_space<hbm>>
      %dma_wait3A_15 = arith.constant 0 : i32
      %dma_wait3A_16 = tpu.memref_slice %arg12[%mul3A_2, %dma_wait3A_15] : memref<10240x16xf32, #tpu.memory_space<vmem_shared>> -> memref<640x16xf32, #tpu.memory_space<vmem_shared>>
      tpu.wait_dma2 semaphore(%run_scoped3A : memref<!tpu.dma_semaphore, #tpu.memory_space<semaphore_mem>>) src(%dma_wait3A_16 : memref<640x16xf32, #tpu.memory_space<vmem_shared>>) dst(%dma_wait3A_14 : memref<640x16xf32, #tpu.memory_space<hbm>>)
      tpu.yield
    }) : () -> ()
    return
  }
}

#map = affine_map<(d0, d1) -> (0, 0)>
#map1 = affine_map<(d0, d1) -> (0, 0, 0)>
module attributes {stable_mosaic.version = 14 : i64} {
  func.func @body(%arg0: i32, %arg1: i32, %arg2: memref<10240x64xf32, #tpu.memory_space<hbm>>, %arg3: memref<32x80x128xi32, #tpu.memory_space<hbm>>, %arg4: memref<32x80x128xi32, #tpu.memory_space<hbm>>, %arg5: memref<640x64xf32, #tpu.memory_space<hbm>>, %arg6: memref<20480x64xf32, #tpu.memory_space<hbm>>, %arg7: memref<80x128xi32, #tpu.memory_space<vmem>>, %arg8: memref<80x128xi32, #tpu.memory_space<vmem>>, %arg9: memref<2x128x64xf32, #tpu.memory_space<vmem>>, %arg10: memref<10240x64xf32, #tpu.memory_space<vmem_shared>>, %arg11: memref<10240x64xf32, #tpu.memory_space<vmem_shared>>, %arg12: memref<!tpu.dma_semaphore, #tpu.memory_space<semaphore_mem>>) attributes {dimension_semantics = [#tpu.dimension_semantics<core_parallel>, #tpu.dimension_semantics<subcore_parallel>], iteration_bounds = array<i64: 2, 16>, scalar_prefetch = 0 : i64, scratch_operands = 6 : i64, tpu.core_type = #tpu.core_type<sc_vector_subcore>, window_params = [{transform_indices = #map}, {transform_indices = #map1}, {transform_indices = #map1}, {transform_indices = #map}, {transform_indices = #map}]} {
    %mul3A = arith.constant 2 : i32
    %mul3A_0 = arith.muli %arg1, %mul3A : i32
    %add3A = arith.addi %mul3A_0, %arg0 : i32
    "tpu.region"() ({
      %run_scoped3A_34 = tpu.sem_alloc : memref<!tpu.dma_semaphore, #tpu.memory_space<semaphore_mem>>
      %dma_start3A_35 = arith.constant 0 : i32
      %dma_start3A_36 = arith.constant 0 : i32
      %dma_start3A_37 = tpu.memref_slice %arg3[%add3A, %dma_start3A_35, %dma_start3A_36] : memref<32x80x128xi32, #tpu.memory_space<hbm>> -> memref<1x80x128xi32, #tpu.memory_space<hbm>>
      %dma_start3A_38 = tpu.memref_squeeze %dma_start3A_37 : memref<1x80x128xi32, #tpu.memory_space<hbm>> -> memref<80x128xi32, #tpu.memory_space<hbm>>
      %dma_start3A_39 = arith.constant 0 : i32
      %dma_start3A_40 = arith.constant 0 : i32
      %dma_start3A_41 = tpu.memref_slice %arg3[%add3A, %dma_start3A_39, %dma_start3A_40] : memref<32x80x128xi32, #tpu.memory_space<hbm>> -> memref<1x80x128xi32, #tpu.memory_space<hbm>>
      %dma_start3A_42 = tpu.memref_squeeze %dma_start3A_41 : memref<1x80x128xi32, #tpu.memory_space<hbm>> -> memref<80x128xi32, #tpu.memory_space<hbm>>
      tpu.enqueue_dma source(%dma_start3A_42 : memref<80x128xi32, #tpu.memory_space<hbm>>) target(%arg7 : memref<80x128xi32, #tpu.memory_space<vmem>>) target_semaphore(%run_scoped3A_34 : memref<!tpu.dma_semaphore, #tpu.memory_space<semaphore_mem>>)
      %dma_wait3A_43 = arith.constant 0 : i32
      %dma_wait3A_44 = arith.constant 0 : i32
      %dma_wait3A_45 = tpu.memref_slice %arg3[%add3A, %dma_wait3A_43, %dma_wait3A_44] : memref<32x80x128xi32, #tpu.memory_space<hbm>> -> memref<1x80x128xi32, #tpu.memory_space<hbm>>
      %dma_wait3A_46 = tpu.memref_squeeze %dma_wait3A_45 : memref<1x80x128xi32, #tpu.memory_space<hbm>> -> memref<80x128xi32, #tpu.memory_space<hbm>>
      %dma_wait3A_47 = arith.constant 0 : i32
      %dma_wait3A_48 = arith.constant 0 : i32
      %dma_wait3A_49 = tpu.memref_slice %arg3[%add3A, %dma_wait3A_47, %dma_wait3A_48] : memref<32x80x128xi32, #tpu.memory_space<hbm>> -> memref<1x80x128xi32, #tpu.memory_space<hbm>>
      %dma_wait3A_50 = tpu.memref_squeeze %dma_wait3A_49 : memref<1x80x128xi32, #tpu.memory_space<hbm>> -> memref<80x128xi32, #tpu.memory_space<hbm>>
      tpu.wait_dma2 semaphore(%run_scoped3A_34 : memref<!tpu.dma_semaphore, #tpu.memory_space<semaphore_mem>>) src(%dma_wait3A_50 : memref<80x128xi32, #tpu.memory_space<hbm>>) dst(%arg7 : memref<80x128xi32, #tpu.memory_space<vmem>>)
      tpu.yield
    }) : () -> ()
    "tpu.region"() ({
      %run_scoped3A_34 = tpu.sem_alloc : memref<!tpu.dma_semaphore, #tpu.memory_space<semaphore_mem>>
      %dma_start3A_35 = arith.constant 0 : i32
      %dma_start3A_36 = arith.constant 0 : i32
      %dma_start3A_37 = tpu.memref_slice %arg4[%add3A, %dma_start3A_35, %dma_start3A_36] : memref<32x80x128xi32, #tpu.memory_space<hbm>> -> memref<1x80x128xi32, #tpu.memory_space<hbm>>
      %dma_start3A_38 = tpu.memref_squeeze %dma_start3A_37 : memref<1x80x128xi32, #tpu.memory_space<hbm>> -> memref<80x128xi32, #tpu.memory_space<hbm>>
      %dma_start3A_39 = arith.constant 0 : i32
      %dma_start3A_40 = arith.constant 0 : i32
      %dma_start3A_41 = tpu.memref_slice %arg4[%add3A, %dma_start3A_39, %dma_start3A_40] : memref<32x80x128xi32, #tpu.memory_space<hbm>> -> memref<1x80x128xi32, #tpu.memory_space<hbm>>
      %dma_start3A_42 = tpu.memref_squeeze %dma_start3A_41 : memref<1x80x128xi32, #tpu.memory_space<hbm>> -> memref<80x128xi32, #tpu.memory_space<hbm>>
      tpu.enqueue_dma source(%dma_start3A_42 : memref<80x128xi32, #tpu.memory_space<hbm>>) target(%arg8 : memref<80x128xi32, #tpu.memory_space<vmem>>) target_semaphore(%run_scoped3A_34 : memref<!tpu.dma_semaphore, #tpu.memory_space<semaphore_mem>>)
      %dma_wait3A_43 = arith.constant 0 : i32
      %dma_wait3A_44 = arith.constant 0 : i32
      %dma_wait3A_45 = tpu.memref_slice %arg4[%add3A, %dma_wait3A_43, %dma_wait3A_44] : memref<32x80x128xi32, #tpu.memory_space<hbm>> -> memref<1x80x128xi32, #tpu.memory_space<hbm>>
      %dma_wait3A_46 = tpu.memref_squeeze %dma_wait3A_45 : memref<1x80x128xi32, #tpu.memory_space<hbm>> -> memref<80x128xi32, #tpu.memory_space<hbm>>
      %dma_wait3A_47 = arith.constant 0 : i32
      %dma_wait3A_48 = arith.constant 0 : i32
      %dma_wait3A_49 = tpu.memref_slice %arg4[%add3A, %dma_wait3A_47, %dma_wait3A_48] : memref<32x80x128xi32, #tpu.memory_space<hbm>> -> memref<1x80x128xi32, #tpu.memory_space<hbm>>
      %dma_wait3A_50 = tpu.memref_squeeze %dma_wait3A_49 : memref<1x80x128xi32, #tpu.memory_space<hbm>> -> memref<80x128xi32, #tpu.memory_space<hbm>>
      tpu.wait_dma2 semaphore(%run_scoped3A_34 : memref<!tpu.dma_semaphore, #tpu.memory_space<semaphore_mem>>) src(%dma_wait3A_50 : memref<80x128xi32, #tpu.memory_space<hbm>>) dst(%arg8 : memref<80x128xi32, #tpu.memory_space<vmem>>)
      tpu.yield
    }) : () -> ()
    %mul3A_1 = arith.constant 640 : i32
    %mul3A_2 = arith.muli %arg1, %mul3A_1 : i32
    "tpu.region"() ({
      %run_scoped3A_34 = tpu.sem_alloc : memref<!tpu.dma_semaphore, #tpu.memory_space<semaphore_mem>>
      %dma_start3A_35 = arith.constant 0 : i32
      %dma_start3A_36 = tpu.memref_slice %arg11[%mul3A_2, %dma_start3A_35] : memref<10240x64xf32, #tpu.memory_space<vmem_shared>> -> memref<640x64xf32, #tpu.memory_space<vmem_shared>>
      tpu.enqueue_dma source(%arg5 : memref<640x64xf32, #tpu.memory_space<hbm>>) target(%dma_start3A_36 : memref<640x64xf32, #tpu.memory_space<vmem_shared>>) target_semaphore(%run_scoped3A_34 : memref<!tpu.dma_semaphore, #tpu.memory_space<semaphore_mem>>)
      %dma_wait3A_37 = arith.constant 0 : i32
      %dma_wait3A_38 = tpu.memref_slice %arg11[%mul3A_2, %dma_wait3A_37] : memref<10240x64xf32, #tpu.memory_space<vmem_shared>> -> memref<640x64xf32, #tpu.memory_space<vmem_shared>>
      tpu.wait_dma2 semaphore(%run_scoped3A_34 : memref<!tpu.dma_semaphore, #tpu.memory_space<semaphore_mem>>) src(%arg5 : memref<640x64xf32, #tpu.memory_space<hbm>>) dst(%dma_wait3A_38 : memref<640x64xf32, #tpu.memory_space<vmem_shared>>)
      tpu.yield
    }) : () -> ()
    "tpu.region"() ({
      %run_scoped3A_34 = tpu.sem_alloc : memref<!tpu.dma_semaphore, #tpu.memory_space<semaphore_mem>>
      %dma_start3A_35 = arith.constant 0 : i32
      %dma_start3A_36 = tpu.memref_slice %arg10[%mul3A_2, %dma_start3A_35] : memref<10240x64xf32, #tpu.memory_space<vmem_shared>> -> memref<640x64xf32, #tpu.memory_space<vmem_shared>>
      %dma_start3A_37 = arith.constant 0 : i32
      %dma_start3A_38 = tpu.memref_slice %arg2[%mul3A_2, %dma_start3A_37] : memref<10240x64xf32, #tpu.memory_space<hbm>> -> memref<640x64xf32, #tpu.memory_space<hbm>>
      tpu.enqueue_dma source(%dma_start3A_38 : memref<640x64xf32, #tpu.memory_space<hbm>>) target(%dma_start3A_36 : memref<640x64xf32, #tpu.memory_space<vmem_shared>>) target_semaphore(%run_scoped3A_34 : memref<!tpu.dma_semaphore, #tpu.memory_space<semaphore_mem>>)
      %dma_wait3A_39 = arith.constant 0 : i32
      %dma_wait3A_40 = tpu.memref_slice %arg10[%mul3A_2, %dma_wait3A_39] : memref<10240x64xf32, #tpu.memory_space<vmem_shared>> -> memref<640x64xf32, #tpu.memory_space<vmem_shared>>
      %dma_wait3A_41 = arith.constant 0 : i32
      %dma_wait3A_42 = tpu.memref_slice %arg2[%mul3A_2, %dma_wait3A_41] : memref<10240x64xf32, #tpu.memory_space<hbm>> -> memref<640x64xf32, #tpu.memory_space<hbm>>
      tpu.wait_dma2 semaphore(%run_scoped3A_34 : memref<!tpu.dma_semaphore, #tpu.memory_space<semaphore_mem>>) src(%dma_wait3A_42 : memref<640x64xf32, #tpu.memory_space<hbm>>) dst(%dma_wait3A_40 : memref<640x64xf32, #tpu.memory_space<vmem_shared>>)
      tpu.yield
    }) : () -> ()
    %barrier3A = arith.constant 0 : index
    tpu.barrier barrier_id(%barrier3A)
    %dma_start3A = arith.constant 0 : i32
    %dma_start3A_3 = arith.constant 0 : i32
    %dma_start3A_4 = arith.constant 0 : i32
    %dma_start3A_5 = arith.constant 0 : i32
    %dma_start3A_6 = tpu.memref_slice %arg9[%dma_start3A_3, %dma_start3A_4, %dma_start3A_5] : memref<2x128x64xf32, #tpu.memory_space<vmem>> -> memref<1x128x64xf32, #tpu.memory_space<vmem>>
    %dma_start3A_7 = tpu.memref_squeeze %dma_start3A_6 : memref<1x128x64xf32, #tpu.memory_space<vmem>> -> memref<128x64xf32, #tpu.memory_space<vmem>>
    %dma_start3A_8 = arith.constant 0 : i32
    %dma_start3A_9 = tpu.memref_slice %arg7[%dma_start3A, %dma_start3A_8] : memref<80x128xi32, #tpu.memory_space<vmem>> -> memref<1x128xi32, #tpu.memory_space<vmem>>
    %dma_start3A_10 = tpu.memref_squeeze %dma_start3A_9 : memref<1x128xi32, #tpu.memory_space<vmem>> -> memref<128xi32, #tpu.memory_space<vmem>>
    %dma_start3A_11 = arith.constant 0 : i32
    %dma_start3A_12 = arith.constant 0 : i32
    %dma_start3A_13 = tpu.memref_slice %arg10[%dma_start3A_11, %dma_start3A_12] : memref<10240x64xf32, #tpu.memory_space<vmem_shared>> -> memref<10240x64xf32, #tpu.memory_space<vmem_shared>>
    tpu.enqueue_indirect_dma source(%dma_start3A_13 : memref<10240x64xf32, #tpu.memory_space<vmem_shared>>) target(%dma_start3A_7 : memref<128x64xf32, #tpu.memory_space<vmem>>) offsets(%dma_start3A_10 : memref<128xi32, #tpu.memory_space<vmem>>) semaphore(%arg12 : memref<!tpu.dma_semaphore, #tpu.memory_space<semaphore_mem>>)
    %dma_wait3A = arith.constant 0 : i32
    %dma_wait3A_14 = arith.constant 0 : i32
    %dma_wait3A_15 = arith.constant 0 : i32
    %dma_wait3A_16 = arith.constant 0 : i32
    %dma_wait3A_17 = tpu.memref_slice %arg9[%dma_wait3A_14, %dma_wait3A_15, %dma_wait3A_16] : memref<2x128x64xf32, #tpu.memory_space<vmem>> -> memref<1x128x64xf32, #tpu.memory_space<vmem>>
    %dma_wait3A_18 = tpu.memref_squeeze %dma_wait3A_17 : memref<1x128x64xf32, #tpu.memory_space<vmem>> -> memref<128x64xf32, #tpu.memory_space<vmem>>
    %dma_wait3A_19 = arith.constant 0 : i32
    %dma_wait3A_20 = tpu.memref_slice %arg7[%dma_wait3A, %dma_wait3A_19] : memref<80x128xi32, #tpu.memory_space<vmem>> -> memref<1x128xi32, #tpu.memory_space<vmem>>
    %dma_wait3A_21 = tpu.memref_squeeze %dma_wait3A_20 : memref<1x128xi32, #tpu.memory_space<vmem>> -> memref<128xi32, #tpu.memory_space<vmem>>
    %dma_wait3A_22 = arith.constant 0 : i32
    %dma_wait3A_23 = arith.constant 0 : i32
    %dma_wait3A_24 = tpu.memref_slice %arg10[%dma_wait3A_22, %dma_wait3A_23] : memref<10240x64xf32, #tpu.memory_space<vmem_shared>> -> memref<10240x64xf32, #tpu.memory_space<vmem_shared>>
    tpu.wait_indirect_dma semaphore(%arg12 : memref<!tpu.dma_semaphore, #tpu.memory_space<semaphore_mem>>) src(%dma_wait3A_24 : memref<10240x64xf32, #tpu.memory_space<vmem_shared>>) dst(%dma_wait3A_18 : memref<128x64xf32, #tpu.memory_space<vmem>>)
    %scan3A = arith.constant 0 : i32
    %scan3A_25 = arith.constant 79 : i32
    %scan3A_26 = arith.addi %scan3A, %scan3A_25 : i32
    %scan3A_27 = arith.constant 1 : i32
    scf.for %scan3A_34 = %scan3A to %scan3A_26 step %scan3A_27  : i32 {
      %mul3A_35 = arith.constant 1 : i32
      %mul3A_36 = arith.muli %scan3A_34, %mul3A_35 : i32
      %add3A_37 = arith.constant 0 : i32
      %add3A_38 = arith.addi %add3A_37, %mul3A_36 : i32
      %add3A_39 = arith.constant 1 : i32
      %add3A_40 = arith.addi %add3A_38, %add3A_39 : i32
      %add3A_41 = arith.constant 1 : i32
      %add3A_42 = arith.addi %add3A_38, %add3A_41 : i32
      %jit3A = arith.constant 2 : i32
      %eq3A = arith.constant 0 : i32
      %eq3A_43 = arith.cmpi eq, %jit3A, %eq3A : i32
      %jit3A_44 = arith.constant 1 : i32
      %select_n3A = arith.select %eq3A_43, %jit3A_44, %jit3A : i32
      %rem3A = arith.remsi %add3A_42, %select_n3A : i32
      %ne3A = arith.constant 0 : i32
      %ne3A_45 = arith.cmpi ne, %rem3A, %ne3A : i32
      %lt3A = arith.constant 0 : i32
      %lt3A_46 = arith.cmpi slt, %rem3A, %lt3A : i32
      %lt3A_47 = arith.constant 0 : i32
      %lt3A_48 = arith.cmpi slt, %select_n3A, %lt3A_47 : i32
      %ne3A_49 = arith.xori %lt3A_46, %lt3A_48 : i1
      %and3A = arith.andi %ne3A_49, %ne3A_45 : i1
      %add3A_50 = arith.addi %rem3A, %select_n3A : i32
      %select_n3A_51 = arith.select %and3A, %add3A_50, %rem3A : i32
      %dma_start3A_52 = arith.constant 0 : i32
      %dma_start3A_53 = arith.constant 0 : i32
      %dma_start3A_54 = tpu.memref_slice %arg9[%select_n3A_51, %dma_start3A_52, %dma_start3A_53] : memref<2x128x64xf32, #tpu.memory_space<vmem>> -> memref<1x128x64xf32, #tpu.memory_space<vmem>>
      %dma_start3A_55 = tpu.memref_squeeze %dma_start3A_54 : memref<1x128x64xf32, #tpu.memory_space<vmem>> -> memref<128x64xf32, #tpu.memory_space<vmem>>
      %dma_start3A_56 = arith.constant 0 : i32
      %dma_start3A_57 = tpu.memref_slice %arg7[%add3A_40, %dma_start3A_56] : memref<80x128xi32, #tpu.memory_space<vmem>> -> memref<1x128xi32, #tpu.memory_space<vmem>>
      %dma_start3A_58 = tpu.memref_squeeze %dma_start3A_57 : memref<1x128xi32, #tpu.memory_space<vmem>> -> memref<128xi32, #tpu.memory_space<vmem>>
      %dma_start3A_59 = arith.constant 0 : i32
      %dma_start3A_60 = arith.constant 0 : i32
      %dma_start3A_61 = tpu.memref_slice %arg10[%dma_start3A_59, %dma_start3A_60] : memref<10240x64xf32, #tpu.memory_space<vmem_shared>> -> memref<10240x64xf32, #tpu.memory_space<vmem_shared>>
      tpu.enqueue_indirect_dma source(%dma_start3A_61 : memref<10240x64xf32, #tpu.memory_space<vmem_shared>>) target(%dma_start3A_55 : memref<128x64xf32, #tpu.memory_space<vmem>>) offsets(%dma_start3A_58 : memref<128xi32, #tpu.memory_space<vmem>>) semaphore(%arg12 : memref<!tpu.dma_semaphore, #tpu.memory_space<semaphore_mem>>)
      %jit3A_62 = arith.constant 2 : i32
      %eq3A_63 = arith.constant 0 : i32
      %eq3A_64 = arith.cmpi eq, %jit3A_62, %eq3A_63 : i32
      %jit3A_65 = arith.constant 1 : i32
      %select_n3A_66 = arith.select %eq3A_64, %jit3A_65, %jit3A_62 : i32
      %rem3A_67 = arith.remsi %add3A_38, %select_n3A_66 : i32
      %ne3A_68 = arith.constant 0 : i32
      %ne3A_69 = arith.cmpi ne, %rem3A_67, %ne3A_68 : i32
      %lt3A_70 = arith.constant 0 : i32
      %lt3A_71 = arith.cmpi slt, %rem3A_67, %lt3A_70 : i32
      %lt3A_72 = arith.constant 0 : i32
      %lt3A_73 = arith.cmpi slt, %select_n3A_66, %lt3A_72 : i32
      %ne3A_74 = arith.xori %lt3A_71, %lt3A_73 : i1
      %and3A_75 = arith.andi %ne3A_74, %ne3A_69 : i1
      %add3A_76 = arith.addi %rem3A_67, %select_n3A_66 : i32
      %select_n3A_77 = arith.select %and3A_75, %add3A_76, %rem3A_67 : i32
      "tpu.region"() ({
        %run_scoped3A_88 = tpu.sem_alloc : memref<!tpu.dma_semaphore, #tpu.memory_space<semaphore_mem>>
        %dma_start3A_89 = arith.constant 0 : i32
        %dma_start3A_90 = arith.constant 0 : i32
        %dma_start3A_91 = tpu.memref_slice %arg9[%select_n3A_77, %dma_start3A_89, %dma_start3A_90] : memref<2x128x64xf32, #tpu.memory_space<vmem>> -> memref<1x128x64xf32, #tpu.memory_space<vmem>>
        %dma_start3A_92 = tpu.memref_squeeze %dma_start3A_91 : memref<1x128x64xf32, #tpu.memory_space<vmem>> -> memref<128x64xf32, #tpu.memory_space<vmem>>
        %dma_start3A_93 = arith.constant 0 : i32
        %dma_start3A_94 = tpu.memref_slice %arg8[%add3A_38, %dma_start3A_93] : memref<80x128xi32, #tpu.memory_space<vmem>> -> memref<1x128xi32, #tpu.memory_space<vmem>>
        %dma_start3A_95 = tpu.memref_squeeze %dma_start3A_94 : memref<1x128xi32, #tpu.memory_space<vmem>> -> memref<128xi32, #tpu.memory_space<vmem>>
        %dma_start3A_96 = arith.constant 0 : i32
        %dma_start3A_97 = arith.constant 0 : i32
        %dma_start3A_98 = tpu.memref_slice %arg11[%dma_start3A_96, %dma_start3A_97] : memref<10240x64xf32, #tpu.memory_space<vmem_shared>> -> memref<10240x64xf32, #tpu.memory_space<vmem_shared>>
        tpu.enqueue_indirect_dma source(%dma_start3A_92 : memref<128x64xf32, #tpu.memory_space<vmem>>) target(%dma_start3A_98 : memref<10240x64xf32, #tpu.memory_space<vmem_shared>>) offsets(%dma_start3A_95 : memref<128xi32, #tpu.memory_space<vmem>>) semaphore(%run_scoped3A_88 : memref<!tpu.dma_semaphore, #tpu.memory_space<semaphore_mem>>) {add = true}
        %dma_wait3A_99 = arith.constant 0 : i32
        %dma_wait3A_100 = arith.constant 0 : i32
        %dma_wait3A_101 = tpu.memref_slice %arg9[%select_n3A_77, %dma_wait3A_99, %dma_wait3A_100] : memref<2x128x64xf32, #tpu.memory_space<vmem>> -> memref<1x128x64xf32, #tpu.memory_space<vmem>>
        %dma_wait3A_102 = tpu.memref_squeeze %dma_wait3A_101 : memref<1x128x64xf32, #tpu.memory_space<vmem>> -> memref<128x64xf32, #tpu.memory_space<vmem>>
        %dma_wait3A_103 = arith.constant 0 : i32
        %dma_wait3A_104 = tpu.memref_slice %arg8[%add3A_38, %dma_wait3A_103] : memref<80x128xi32, #tpu.memory_space<vmem>> -> memref<1x128xi32, #tpu.memory_space<vmem>>
        %dma_wait3A_105 = tpu.memref_squeeze %dma_wait3A_104 : memref<1x128xi32, #tpu.memory_space<vmem>> -> memref<128xi32, #tpu.memory_space<vmem>>
        %dma_wait3A_106 = arith.constant 0 : i32
        %dma_wait3A_107 = arith.constant 0 : i32
        %dma_wait3A_108 = tpu.memref_slice %arg11[%dma_wait3A_106, %dma_wait3A_107] : memref<10240x64xf32, #tpu.memory_space<vmem_shared>> -> memref<10240x64xf32, #tpu.memory_space<vmem_shared>>
        tpu.wait_indirect_dma semaphore(%run_scoped3A_88 : memref<!tpu.dma_semaphore, #tpu.memory_space<semaphore_mem>>) src(%dma_wait3A_102 : memref<128x64xf32, #tpu.memory_space<vmem>>) dst(%dma_wait3A_108 : memref<10240x64xf32, #tpu.memory_space<vmem_shared>>)
        tpu.yield
      }) : () -> ()
      %dma_wait3A_78 = arith.constant 0 : i32
      %dma_wait3A_79 = arith.constant 0 : i32
      %dma_wait3A_80 = tpu.memref_slice %arg9[%select_n3A_51, %dma_wait3A_78, %dma_wait3A_79] : memref<2x128x64xf32, #tpu.memory_space<vmem>> -> memref<1x128x64xf32, #tpu.memory_space<vmem>>
      %dma_wait3A_81 = tpu.memref_squeeze %dma_wait3A_80 : memref<1x128x64xf32, #tpu.memory_space<vmem>> -> memref<128x64xf32, #tpu.memory_space<vmem>>
      %dma_wait3A_82 = arith.constant 0 : i32
      %dma_wait3A_83 = tpu.memref_slice %arg7[%add3A_40, %dma_wait3A_82] : memref<80x128xi32, #tpu.memory_space<vmem>> -> memref<1x128xi32, #tpu.memory_space<vmem>>
      %dma_wait3A_84 = tpu.memref_squeeze %dma_wait3A_83 : memref<1x128xi32, #tpu.memory_space<vmem>> -> memref<128xi32, #tpu.memory_space<vmem>>
      %dma_wait3A_85 = arith.constant 0 : i32
      %dma_wait3A_86 = arith.constant 0 : i32
      %dma_wait3A_87 = tpu.memref_slice %arg10[%dma_wait3A_85, %dma_wait3A_86] : memref<10240x64xf32, #tpu.memory_space<vmem_shared>> -> memref<10240x64xf32, #tpu.memory_space<vmem_shared>>
      tpu.wait_indirect_dma semaphore(%arg12 : memref<!tpu.dma_semaphore, #tpu.memory_space<semaphore_mem>>) src(%dma_wait3A_87 : memref<10240x64xf32, #tpu.memory_space<vmem_shared>>) dst(%dma_wait3A_81 : memref<128x64xf32, #tpu.memory_space<vmem>>)
    }
    %scan3A_28 = arith.constant 79 : i32
    %run_scoped3A = arith.constant 1 : i32
    %run_scoped3A_29 = arith.constant 79 : i32
    "tpu.region"() ({
      %run_scoped3A_34 = tpu.sem_alloc : memref<!tpu.dma_semaphore, #tpu.memory_space<semaphore_mem>>
      %dma_start3A_35 = arith.constant 0 : i32
      %dma_start3A_36 = arith.constant 0 : i32
      %dma_start3A_37 = tpu.memref_slice %arg9[%run_scoped3A, %dma_start3A_35, %dma_start3A_36] : memref<2x128x64xf32, #tpu.memory_space<vmem>> -> memref<1x128x64xf32, #tpu.memory_space<vmem>>
      %dma_start3A_38 = tpu.memref_squeeze %dma_start3A_37 : memref<1x128x64xf32, #tpu.memory_space<vmem>> -> memref<128x64xf32, #tpu.memory_space<vmem>>
      %dma_start3A_39 = arith.constant 0 : i32
      %dma_start3A_40 = tpu.memref_slice %arg8[%run_scoped3A_29, %dma_start3A_39] : memref<80x128xi32, #tpu.memory_space<vmem>> -> memref<1x128xi32, #tpu.memory_space<vmem>>
      %dma_start3A_41 = tpu.memref_squeeze %dma_start3A_40 : memref<1x128xi32, #tpu.memory_space<vmem>> -> memref<128xi32, #tpu.memory_space<vmem>>
      %dma_start3A_42 = arith.constant 0 : i32
      %dma_start3A_43 = arith.constant 0 : i32
      %dma_start3A_44 = tpu.memref_slice %arg11[%dma_start3A_42, %dma_start3A_43] : memref<10240x64xf32, #tpu.memory_space<vmem_shared>> -> memref<10240x64xf32, #tpu.memory_space<vmem_shared>>
      tpu.enqueue_indirect_dma source(%dma_start3A_38 : memref<128x64xf32, #tpu.memory_space<vmem>>) target(%dma_start3A_44 : memref<10240x64xf32, #tpu.memory_space<vmem_shared>>) offsets(%dma_start3A_41 : memref<128xi32, #tpu.memory_space<vmem>>) semaphore(%run_scoped3A_34 : memref<!tpu.dma_semaphore, #tpu.memory_space<semaphore_mem>>) {add = true}
      %dma_wait3A_45 = arith.constant 0 : i32
      %dma_wait3A_46 = arith.constant 0 : i32
      %dma_wait3A_47 = tpu.memref_slice %arg9[%run_scoped3A, %dma_wait3A_45, %dma_wait3A_46] : memref<2x128x64xf32, #tpu.memory_space<vmem>> -> memref<1x128x64xf32, #tpu.memory_space<vmem>>
      %dma_wait3A_48 = tpu.memref_squeeze %dma_wait3A_47 : memref<1x128x64xf32, #tpu.memory_space<vmem>> -> memref<128x64xf32, #tpu.memory_space<vmem>>
      %dma_wait3A_49 = arith.constant 0 : i32
      %dma_wait3A_50 = tpu.memref_slice %arg8[%run_scoped3A_29, %dma_wait3A_49] : memref<80x128xi32, #tpu.memory_space<vmem>> -> memref<1x128xi32, #tpu.memory_space<vmem>>
      %dma_wait3A_51 = tpu.memref_squeeze %dma_wait3A_50 : memref<1x128xi32, #tpu.memory_space<vmem>> -> memref<128xi32, #tpu.memory_space<vmem>>
      %dma_wait3A_52 = arith.constant 0 : i32
      %dma_wait3A_53 = arith.constant 0 : i32
      %dma_wait3A_54 = tpu.memref_slice %arg11[%dma_wait3A_52, %dma_wait3A_53] : memref<10240x64xf32, #tpu.memory_space<vmem_shared>> -> memref<10240x64xf32, #tpu.memory_space<vmem_shared>>
      tpu.wait_indirect_dma semaphore(%run_scoped3A_34 : memref<!tpu.dma_semaphore, #tpu.memory_space<semaphore_mem>>) src(%dma_wait3A_48 : memref<128x64xf32, #tpu.memory_space<vmem>>) dst(%dma_wait3A_54 : memref<10240x64xf32, #tpu.memory_space<vmem_shared>>)
      tpu.yield
    }) : () -> ()
    %barrier3A_30 = arith.constant 0 : index
    tpu.barrier barrier_id(%barrier3A_30)
    %mul3A_31 = arith.constant 10240 : i32
    %mul3A_32 = arith.muli %arg0, %mul3A_31 : i32
    %add3A_33 = arith.addi %mul3A_32, %mul3A_2 : i32
    "tpu.region"() ({
      %run_scoped3A_34 = tpu.sem_alloc : memref<!tpu.dma_semaphore, #tpu.memory_space<semaphore_mem>>
      %dma_start3A_35 = arith.constant 0 : i32
      %dma_start3A_36 = tpu.memref_slice %arg6[%add3A_33, %dma_start3A_35] : memref<20480x64xf32, #tpu.memory_space<hbm>> -> memref<640x64xf32, #tpu.memory_space<hbm>>
      %dma_start3A_37 = arith.constant 0 : i32
      %dma_start3A_38 = tpu.memref_slice %arg11[%mul3A_2, %dma_start3A_37] : memref<10240x64xf32, #tpu.memory_space<vmem_shared>> -> memref<640x64xf32, #tpu.memory_space<vmem_shared>>
      tpu.enqueue_dma source(%dma_start3A_38 : memref<640x64xf32, #tpu.memory_space<vmem_shared>>) target(%dma_start3A_36 : memref<640x64xf32, #tpu.memory_space<hbm>>) target_semaphore(%run_scoped3A_34 : memref<!tpu.dma_semaphore, #tpu.memory_space<semaphore_mem>>)
      %dma_wait3A_39 = arith.constant 0 : i32
      %dma_wait3A_40 = tpu.memref_slice %arg6[%add3A_33, %dma_wait3A_39] : memref<20480x64xf32, #tpu.memory_space<hbm>> -> memref<640x64xf32, #tpu.memory_space<hbm>>
      %dma_wait3A_41 = arith.constant 0 : i32
      %dma_wait3A_42 = tpu.memref_slice %arg11[%mul3A_2, %dma_wait3A_41] : memref<10240x64xf32, #tpu.memory_space<vmem_shared>> -> memref<640x64xf32, #tpu.memory_space<vmem_shared>>
      tpu.wait_dma2 semaphore(%run_scoped3A_34 : memref<!tpu.dma_semaphore, #tpu.memory_space<semaphore_mem>>) src(%dma_wait3A_42 : memref<640x64xf32, #tpu.memory_space<vmem_shared>>) dst(%dma_wait3A_40 : memref<640x64xf32, #tpu.memory_space<hbm>>)
      tpu.yield
    }) : () -> ()
    return
  }
}

#map = affine_map<(d0, d1) -> (0, 0)>
#map1 = affine_map<(d0, d1) -> (0, 0, 0)>
module attributes {stable_mosaic.version = 14 : i64} {
  func.func @body(%arg0: i32, %arg1: i32, %arg2: memref<10240x64xf32, #tpu.memory_space<hbm>>, %arg3: memref<32x80x128xi32, #tpu.memory_space<hbm>>, %arg4: memref<32x80x128xi32, #tpu.memory_space<hbm>>, %arg5: memref<640x64xf32, #tpu.memory_space<hbm>>, %arg6: memref<20480x64xf32, #tpu.memory_space<hbm>>, %arg7: memref<80x128xi32, #tpu.memory_space<vmem>>, %arg8: memref<80x128xi32, #tpu.memory_space<vmem>>, %arg9: memref<2x128x64xf32, #tpu.memory_space<vmem>>, %arg10: memref<10240x64xf32, #tpu.memory_space<vmem_shared>>, %arg11: memref<10240x64xf32, #tpu.memory_space<vmem_shared>>, %arg12: memref<!tpu.dma_semaphore, #tpu.memory_space<semaphore_mem>>) attributes {dimension_semantics = [#tpu.dimension_semantics<core_parallel>, #tpu.dimension_semantics<subcore_parallel>], iteration_bounds = array<i64: 2, 16>, scalar_prefetch = 0 : i64, scratch_operands = 6 : i64, tpu.core_type = #tpu.core_type<sc_vector_subcore>, window_params = [{transform_indices = #map}, {transform_indices = #map1}, {transform_indices = #map1}, {transform_indices = #map}, {transform_indices = #map}]} {
    %mul3A = arith.constant 2 : i32
    %mul3A_0 = arith.muli %arg1, %mul3A : i32
    %add3A = arith.addi %mul3A_0, %arg0 : i32
    "tpu.region"() ({
      %run_scoped3A_34 = tpu.sem_alloc : memref<!tpu.dma_semaphore, #tpu.memory_space<semaphore_mem>>
      %dma_start3A_35 = arith.constant 0 : i32
      %dma_start3A_36 = arith.constant 0 : i32
      %dma_start3A_37 = tpu.memref_slice %arg3[%add3A, %dma_start3A_35, %dma_start3A_36] : memref<32x80x128xi32, #tpu.memory_space<hbm>> -> memref<1x80x128xi32, #tpu.memory_space<hbm>>
      %dma_start3A_38 = tpu.memref_squeeze %dma_start3A_37 : memref<1x80x128xi32, #tpu.memory_space<hbm>> -> memref<80x128xi32, #tpu.memory_space<hbm>>
      %dma_start3A_39 = arith.constant 0 : i32
      %dma_start3A_40 = arith.constant 0 : i32
      %dma_start3A_41 = tpu.memref_slice %arg3[%add3A, %dma_start3A_39, %dma_start3A_40] : memref<32x80x128xi32, #tpu.memory_space<hbm>> -> memref<1x80x128xi32, #tpu.memory_space<hbm>>
      %dma_start3A_42 = tpu.memref_squeeze %dma_start3A_41 : memref<1x80x128xi32, #tpu.memory_space<hbm>> -> memref<80x128xi32, #tpu.memory_space<hbm>>
      tpu.enqueue_dma source(%dma_start3A_42 : memref<80x128xi32, #tpu.memory_space<hbm>>) target(%arg7 : memref<80x128xi32, #tpu.memory_space<vmem>>) target_semaphore(%run_scoped3A_34 : memref<!tpu.dma_semaphore, #tpu.memory_space<semaphore_mem>>)
      %dma_wait3A_43 = arith.constant 0 : i32
      %dma_wait3A_44 = arith.constant 0 : i32
      %dma_wait3A_45 = tpu.memref_slice %arg3[%add3A, %dma_wait3A_43, %dma_wait3A_44] : memref<32x80x128xi32, #tpu.memory_space<hbm>> -> memref<1x80x128xi32, #tpu.memory_space<hbm>>
      %dma_wait3A_46 = tpu.memref_squeeze %dma_wait3A_45 : memref<1x80x128xi32, #tpu.memory_space<hbm>> -> memref<80x128xi32, #tpu.memory_space<hbm>>
      %dma_wait3A_47 = arith.constant 0 : i32
      %dma_wait3A_48 = arith.constant 0 : i32
      %dma_wait3A_49 = tpu.memref_slice %arg3[%add3A, %dma_wait3A_47, %dma_wait3A_48] : memref<32x80x128xi32, #tpu.memory_space<hbm>> -> memref<1x80x128xi32, #tpu.memory_space<hbm>>
      %dma_wait3A_50 = tpu.memref_squeeze %dma_wait3A_49 : memref<1x80x128xi32, #tpu.memory_space<hbm>> -> memref<80x128xi32, #tpu.memory_space<hbm>>
      tpu.wait_dma2 semaphore(%run_scoped3A_34 : memref<!tpu.dma_semaphore, #tpu.memory_space<semaphore_mem>>) src(%dma_wait3A_50 : memref<80x128xi32, #tpu.memory_space<hbm>>) dst(%arg7 : memref<80x128xi32, #tpu.memory_space<vmem>>)
      tpu.yield
    }) : () -> ()
    "tpu.region"() ({
      %run_scoped3A_34 = tpu.sem_alloc : memref<!tpu.dma_semaphore, #tpu.memory_space<semaphore_mem>>
      %dma_start3A_35 = arith.constant 0 : i32
      %dma_start3A_36 = arith.constant 0 : i32
      %dma_start3A_37 = tpu.memref_slice %arg4[%add3A, %dma_start3A_35, %dma_start3A_36] : memref<32x80x128xi32, #tpu.memory_space<hbm>> -> memref<1x80x128xi32, #tpu.memory_space<hbm>>
      %dma_start3A_38 = tpu.memref_squeeze %dma_start3A_37 : memref<1x80x128xi32, #tpu.memory_space<hbm>> -> memref<80x128xi32, #tpu.memory_space<hbm>>
      %dma_start3A_39 = arith.constant 0 : i32
      %dma_start3A_40 = arith.constant 0 : i32
      %dma_start3A_41 = tpu.memref_slice %arg4[%add3A, %dma_start3A_39, %dma_start3A_40] : memref<32x80x128xi32, #tpu.memory_space<hbm>> -> memref<1x80x128xi32, #tpu.memory_space<hbm>>
      %dma_start3A_42 = tpu.memref_squeeze %dma_start3A_41 : memref<1x80x128xi32, #tpu.memory_space<hbm>> -> memref<80x128xi32, #tpu.memory_space<hbm>>
      tpu.enqueue_dma source(%dma_start3A_42 : memref<80x128xi32, #tpu.memory_space<hbm>>) target(%arg8 : memref<80x128xi32, #tpu.memory_space<vmem>>) target_semaphore(%run_scoped3A_34 : memref<!tpu.dma_semaphore, #tpu.memory_space<semaphore_mem>>)
      %dma_wait3A_43 = arith.constant 0 : i32
      %dma_wait3A_44 = arith.constant 0 : i32
      %dma_wait3A_45 = tpu.memref_slice %arg4[%add3A, %dma_wait3A_43, %dma_wait3A_44] : memref<32x80x128xi32, #tpu.memory_space<hbm>> -> memref<1x80x128xi32, #tpu.memory_space<hbm>>
      %dma_wait3A_46 = tpu.memref_squeeze %dma_wait3A_45 : memref<1x80x128xi32, #tpu.memory_space<hbm>> -> memref<80x128xi32, #tpu.memory_space<hbm>>
      %dma_wait3A_47 = arith.constant 0 : i32
      %dma_wait3A_48 = arith.constant 0 : i32
      %dma_wait3A_49 = tpu.memref_slice %arg4[%add3A, %dma_wait3A_47, %dma_wait3A_48] : memref<32x80x128xi32, #tpu.memory_space<hbm>> -> memref<1x80x128xi32, #tpu.memory_space<hbm>>
      %dma_wait3A_50 = tpu.memref_squeeze %dma_wait3A_49 : memref<1x80x128xi32, #tpu.memory_space<hbm>> -> memref<80x128xi32, #tpu.memory_space<hbm>>
      tpu.wait_dma2 semaphore(%run_scoped3A_34 : memref<!tpu.dma_semaphore, #tpu.memory_space<semaphore_mem>>) src(%dma_wait3A_50 : memref<80x128xi32, #tpu.memory_space<hbm>>) dst(%arg8 : memref<80x128xi32, #tpu.memory_space<vmem>>)
      tpu.yield
    }) : () -> ()
    %mul3A_1 = arith.constant 640 : i32
    %mul3A_2 = arith.muli %arg1, %mul3A_1 : i32
    "tpu.region"() ({
      %run_scoped3A_34 = tpu.sem_alloc : memref<!tpu.dma_semaphore, #tpu.memory_space<semaphore_mem>>
      %dma_start3A_35 = arith.constant 0 : i32
      %dma_start3A_36 = tpu.memref_slice %arg11[%mul3A_2, %dma_start3A_35] : memref<10240x64xf32, #tpu.memory_space<vmem_shared>> -> memref<640x64xf32, #tpu.memory_space<vmem_shared>>
      tpu.enqueue_dma source(%arg5 : memref<640x64xf32, #tpu.memory_space<hbm>>) target(%dma_start3A_36 : memref<640x64xf32, #tpu.memory_space<vmem_shared>>) target_semaphore(%run_scoped3A_34 : memref<!tpu.dma_semaphore, #tpu.memory_space<semaphore_mem>>)
      %dma_wait3A_37 = arith.constant 0 : i32
      %dma_wait3A_38 = tpu.memref_slice %arg11[%mul3A_2, %dma_wait3A_37] : memref<10240x64xf32, #tpu.memory_space<vmem_shared>> -> memref<640x64xf32, #tpu.memory_space<vmem_shared>>
      tpu.wait_dma2 semaphore(%run_scoped3A_34 : memref<!tpu.dma_semaphore, #tpu.memory_space<semaphore_mem>>) src(%arg5 : memref<640x64xf32, #tpu.memory_space<hbm>>) dst(%dma_wait3A_38 : memref<640x64xf32, #tpu.memory_space<vmem_shared>>)
      tpu.yield
    }) : () -> ()
    "tpu.region"() ({
      %run_scoped3A_34 = tpu.sem_alloc : memref<!tpu.dma_semaphore, #tpu.memory_space<semaphore_mem>>
      %dma_start3A_35 = arith.constant 0 : i32
      %dma_start3A_36 = tpu.memref_slice %arg10[%mul3A_2, %dma_start3A_35] : memref<10240x64xf32, #tpu.memory_space<vmem_shared>> -> memref<640x64xf32, #tpu.memory_space<vmem_shared>>
      %dma_start3A_37 = arith.constant 0 : i32
      %dma_start3A_38 = tpu.memref_slice %arg2[%mul3A_2, %dma_start3A_37] : memref<10240x64xf32, #tpu.memory_space<hbm>> -> memref<640x64xf32, #tpu.memory_space<hbm>>
      tpu.enqueue_dma source(%dma_start3A_38 : memref<640x64xf32, #tpu.memory_space<hbm>>) target(%dma_start3A_36 : memref<640x64xf32, #tpu.memory_space<vmem_shared>>) target_semaphore(%run_scoped3A_34 : memref<!tpu.dma_semaphore, #tpu.memory_space<semaphore_mem>>)
      %dma_wait3A_39 = arith.constant 0 : i32
      %dma_wait3A_40 = tpu.memref_slice %arg10[%mul3A_2, %dma_wait3A_39] : memref<10240x64xf32, #tpu.memory_space<vmem_shared>> -> memref<640x64xf32, #tpu.memory_space<vmem_shared>>
      %dma_wait3A_41 = arith.constant 0 : i32
      %dma_wait3A_42 = tpu.memref_slice %arg2[%mul3A_2, %dma_wait3A_41] : memref<10240x64xf32, #tpu.memory_space<hbm>> -> memref<640x64xf32, #tpu.memory_space<hbm>>
      tpu.wait_dma2 semaphore(%run_scoped3A_34 : memref<!tpu.dma_semaphore, #tpu.memory_space<semaphore_mem>>) src(%dma_wait3A_42 : memref<640x64xf32, #tpu.memory_space<hbm>>) dst(%dma_wait3A_40 : memref<640x64xf32, #tpu.memory_space<vmem_shared>>)
      tpu.yield
    }) : () -> ()
    %barrier3A = arith.constant 0 : index
    tpu.barrier barrier_id(%barrier3A)
    %dma_start3A = arith.constant 0 : i32
    %dma_start3A_3 = arith.constant 0 : i32
    %dma_start3A_4 = arith.constant 0 : i32
    %dma_start3A_5 = arith.constant 0 : i32
    %dma_start3A_6 = tpu.memref_slice %arg9[%dma_start3A_3, %dma_start3A_4, %dma_start3A_5] : memref<2x128x64xf32, #tpu.memory_space<vmem>> -> memref<1x128x64xf32, #tpu.memory_space<vmem>>
    %dma_start3A_7 = tpu.memref_squeeze %dma_start3A_6 : memref<1x128x64xf32, #tpu.memory_space<vmem>> -> memref<128x64xf32, #tpu.memory_space<vmem>>
    %dma_start3A_8 = arith.constant 0 : i32
    %dma_start3A_9 = tpu.memref_slice %arg7[%dma_start3A, %dma_start3A_8] : memref<80x128xi32, #tpu.memory_space<vmem>> -> memref<1x128xi32, #tpu.memory_space<vmem>>
    %dma_start3A_10 = tpu.memref_squeeze %dma_start3A_9 : memref<1x128xi32, #tpu.memory_space<vmem>> -> memref<128xi32, #tpu.memory_space<vmem>>
    %dma_start3A_11 = arith.constant 0 : i32
    %dma_start3A_12 = arith.constant 0 : i32
    %dma_start3A_13 = tpu.memref_slice %arg10[%dma_start3A_11, %dma_start3A_12] : memref<10240x64xf32, #tpu.memory_space<vmem_shared>> -> memref<10240x64xf32, #tpu.memory_space<vmem_shared>>
    tpu.enqueue_indirect_dma source(%dma_start3A_13 : memref<10240x64xf32, #tpu.memory_space<vmem_shared>>) target(%dma_start3A_7 : memref<128x64xf32, #tpu.memory_space<vmem>>) offsets(%dma_start3A_10 : memref<128xi32, #tpu.memory_space<vmem>>) semaphore(%arg12 : memref<!tpu.dma_semaphore, #tpu.memory_space<semaphore_mem>>)
    %dma_wait3A = arith.constant 0 : i32
    %dma_wait3A_14 = arith.constant 0 : i32
    %dma_wait3A_15 = arith.constant 0 : i32
    %dma_wait3A_16 = arith.constant 0 : i32
    %dma_wait3A_17 = tpu.memref_slice %arg9[%dma_wait3A_14, %dma_wait3A_15, %dma_wait3A_16] : memref<2x128x64xf32, #tpu.memory_space<vmem>> -> memref<1x128x64xf32, #tpu.memory_space<vmem>>
    %dma_wait3A_18 = tpu.memref_squeeze %dma_wait3A_17 : memref<1x128x64xf32, #tpu.memory_space<vmem>> -> memref<128x64xf32, #tpu.memory_space<vmem>>
    %dma_wait3A_19 = arith.constant 0 : i32
    %dma_wait3A_20 = tpu.memref_slice %arg7[%dma_wait3A, %dma_wait3A_19] : memref<80x128xi32, #tpu.memory_space<vmem>> -> memref<1x128xi32, #tpu.memory_space<vmem>>
    %dma_wait3A_21 = tpu.memref_squeeze %dma_wait3A_20 : memref<1x128xi32, #tpu.memory_space<vmem>> -> memref<128xi32, #tpu.memory_space<vmem>>
    %dma_wait3A_22 = arith.constant 0 : i32
    %dma_wait3A_23 = arith.constant 0 : i32
    %dma_wait3A_24 = tpu.memref_slice %arg10[%dma_wait3A_22, %dma_wait3A_23] : memref<10240x64xf32, #tpu.memory_space<vmem_shared>> -> memref<10240x64xf32, #tpu.memory_space<vmem_shared>>
    tpu.wait_indirect_dma semaphore(%arg12 : memref<!tpu.dma_semaphore, #tpu.memory_space<semaphore_mem>>) src(%dma_wait3A_24 : memref<10240x64xf32, #tpu.memory_space<vmem_shared>>) dst(%dma_wait3A_18 : memref<128x64xf32, #tpu.memory_space<vmem>>)
    %scan3A = arith.constant 0 : i32
    %scan3A_25 = arith.constant 79 : i32
    %scan3A_26 = arith.addi %scan3A, %scan3A_25 : i32
    %scan3A_27 = arith.constant 1 : i32
    scf.for %scan3A_34 = %scan3A to %scan3A_26 step %scan3A_27  : i32 {
      %mul3A_35 = arith.constant 1 : i32
      %mul3A_36 = arith.muli %scan3A_34, %mul3A_35 : i32
      %add3A_37 = arith.constant 0 : i32
      %add3A_38 = arith.addi %add3A_37, %mul3A_36 : i32
      %add3A_39 = arith.constant 1 : i32
      %add3A_40 = arith.addi %add3A_38, %add3A_39 : i32
      %add3A_41 = arith.constant 1 : i32
      %add3A_42 = arith.addi %add3A_38, %add3A_41 : i32
      %jit3A = arith.constant 2 : i32
      %eq3A = arith.constant 0 : i32
      %eq3A_43 = arith.cmpi eq, %jit3A, %eq3A : i32
      %jit3A_44 = arith.constant 1 : i32
      %select_n3A = arith.select %eq3A_43, %jit3A_44, %jit3A : i32
      %rem3A = arith.remsi %add3A_42, %select_n3A : i32
      %ne3A = arith.constant 0 : i32
      %ne3A_45 = arith.cmpi ne, %rem3A, %ne3A : i32
      %lt3A = arith.constant 0 : i32
      %lt3A_46 = arith.cmpi slt, %rem3A, %lt3A : i32
      %lt3A_47 = arith.constant 0 : i32
      %lt3A_48 = arith.cmpi slt, %select_n3A, %lt3A_47 : i32
      %ne3A_49 = arith.xori %lt3A_46, %lt3A_48 : i1
      %and3A = arith.andi %ne3A_49, %ne3A_45 : i1
      %add3A_50 = arith.addi %rem3A, %select_n3A : i32
      %select_n3A_51 = arith.select %and3A, %add3A_50, %rem3A : i32
      %dma_start3A_52 = arith.constant 0 : i32
      %dma_start3A_53 = arith.constant 0 : i32
      %dma_start3A_54 = tpu.memref_slice %arg9[%select_n3A_51, %dma_start3A_52, %dma_start3A_53] : memref<2x128x64xf32, #tpu.memory_space<vmem>> -> memref<1x128x64xf32, #tpu.memory_space<vmem>>
      %dma_start3A_55 = tpu.memref_squeeze %dma_start3A_54 : memref<1x128x64xf32, #tpu.memory_space<vmem>> -> memref<128x64xf32, #tpu.memory_space<vmem>>
      %dma_start3A_56 = arith.constant 0 : i32
      %dma_start3A_57 = tpu.memref_slice %arg7[%add3A_40, %dma_start3A_56] : memref<80x128xi32, #tpu.memory_space<vmem>> -> memref<1x128xi32, #tpu.memory_space<vmem>>
      %dma_start3A_58 = tpu.memref_squeeze %dma_start3A_57 : memref<1x128xi32, #tpu.memory_space<vmem>> -> memref<128xi32, #tpu.memory_space<vmem>>
      %dma_start3A_59 = arith.constant 0 : i32
      %dma_start3A_60 = arith.constant 0 : i32
      %dma_start3A_61 = tpu.memref_slice %arg10[%dma_start3A_59, %dma_start3A_60] : memref<10240x64xf32, #tpu.memory_space<vmem_shared>> -> memref<10240x64xf32, #tpu.memory_space<vmem_shared>>
      tpu.enqueue_indirect_dma source(%dma_start3A_61 : memref<10240x64xf32, #tpu.memory_space<vmem_shared>>) target(%dma_start3A_55 : memref<128x64xf32, #tpu.memory_space<vmem>>) offsets(%dma_start3A_58 : memref<128xi32, #tpu.memory_space<vmem>>) semaphore(%arg12 : memref<!tpu.dma_semaphore, #tpu.memory_space<semaphore_mem>>)
      %jit3A_62 = arith.constant 2 : i32
      %eq3A_63 = arith.constant 0 : i32
      %eq3A_64 = arith.cmpi eq, %jit3A_62, %eq3A_63 : i32
      %jit3A_65 = arith.constant 1 : i32
      %select_n3A_66 = arith.select %eq3A_64, %jit3A_65, %jit3A_62 : i32
      %rem3A_67 = arith.remsi %add3A_38, %select_n3A_66 : i32
      %ne3A_68 = arith.constant 0 : i32
      %ne3A_69 = arith.cmpi ne, %rem3A_67, %ne3A_68 : i32
      %lt3A_70 = arith.constant 0 : i32
      %lt3A_71 = arith.cmpi slt, %rem3A_67, %lt3A_70 : i32
      %lt3A_72 = arith.constant 0 : i32
      %lt3A_73 = arith.cmpi slt, %select_n3A_66, %lt3A_72 : i32
      %ne3A_74 = arith.xori %lt3A_71, %lt3A_73 : i1
      %and3A_75 = arith.andi %ne3A_74, %ne3A_69 : i1
      %add3A_76 = arith.addi %rem3A_67, %select_n3A_66 : i32
      %select_n3A_77 = arith.select %and3A_75, %add3A_76, %rem3A_67 : i32
      "tpu.region"() ({
        %run_scoped3A_88 = tpu.sem_alloc : memref<!tpu.dma_semaphore, #tpu.memory_space<semaphore_mem>>
        %dma_start3A_89 = arith.constant 0 : i32
        %dma_start3A_90 = arith.constant 0 : i32
        %dma_start3A_91 = tpu.memref_slice %arg9[%select_n3A_77, %dma_start3A_89, %dma_start3A_90] : memref<2x128x64xf32, #tpu.memory_space<vmem>> -> memref<1x128x64xf32, #tpu.memory_space<vmem>>
        %dma_start3A_92 = tpu.memref_squeeze %dma_start3A_91 : memref<1x128x64xf32, #tpu.memory_space<vmem>> -> memref<128x64xf32, #tpu.memory_space<vmem>>
        %dma_start3A_93 = arith.constant 0 : i32
        %dma_start3A_94 = tpu.memref_slice %arg8[%add3A_38, %dma_start3A_93] : memref<80x128xi32, #tpu.memory_space<vmem>> -> memref<1x128xi32, #tpu.memory_space<vmem>>
        %dma_start3A_95 = tpu.memref_squeeze %dma_start3A_94 : memref<1x128xi32, #tpu.memory_space<vmem>> -> memref<128xi32, #tpu.memory_space<vmem>>
        %dma_start3A_96 = arith.constant 0 : i32
        %dma_start3A_97 = arith.constant 0 : i32
        %dma_start3A_98 = tpu.memref_slice %arg11[%dma_start3A_96, %dma_start3A_97] : memref<10240x64xf32, #tpu.memory_space<vmem_shared>> -> memref<10240x64xf32, #tpu.memory_space<vmem_shared>>
        tpu.enqueue_indirect_dma source(%dma_start3A_92 : memref<128x64xf32, #tpu.memory_space<vmem>>) target(%dma_start3A_98 : memref<10240x64xf32, #tpu.memory_space<vmem_shared>>) offsets(%dma_start3A_95 : memref<128xi32, #tpu.memory_space<vmem>>) semaphore(%run_scoped3A_88 : memref<!tpu.dma_semaphore, #tpu.memory_space<semaphore_mem>>) {add = true}
        %dma_wait3A_99 = arith.constant 0 : i32
        %dma_wait3A_100 = arith.constant 0 : i32
        %dma_wait3A_101 = tpu.memref_slice %arg9[%select_n3A_77, %dma_wait3A_99, %dma_wait3A_100] : memref<2x128x64xf32, #tpu.memory_space<vmem>> -> memref<1x128x64xf32, #tpu.memory_space<vmem>>
        %dma_wait3A_102 = tpu.memref_squeeze %dma_wait3A_101 : memref<1x128x64xf32, #tpu.memory_space<vmem>> -> memref<128x64xf32, #tpu.memory_space<vmem>>
        %dma_wait3A_103 = arith.constant 0 : i32
        %dma_wait3A_104 = tpu.memref_slice %arg8[%add3A_38, %dma_wait3A_103] : memref<80x128xi32, #tpu.memory_space<vmem>> -> memref<1x128xi32, #tpu.memory_space<vmem>>
        %dma_wait3A_105 = tpu.memref_squeeze %dma_wait3A_104 : memref<1x128xi32, #tpu.memory_space<vmem>> -> memref<128xi32, #tpu.memory_space<vmem>>
        %dma_wait3A_106 = arith.constant 0 : i32
        %dma_wait3A_107 = arith.constant 0 : i32
        %dma_wait3A_108 = tpu.memref_slice %arg11[%dma_wait3A_106, %dma_wait3A_107] : memref<10240x64xf32, #tpu.memory_space<vmem_shared>> -> memref<10240x64xf32, #tpu.memory_space<vmem_shared>>
        tpu.wait_indirect_dma semaphore(%run_scoped3A_88 : memref<!tpu.dma_semaphore, #tpu.memory_space<semaphore_mem>>) src(%dma_wait3A_102 : memref<128x64xf32, #tpu.memory_space<vmem>>) dst(%dma_wait3A_108 : memref<10240x64xf32, #tpu.memory_space<vmem_shared>>)
        tpu.yield
      }) : () -> ()
      %dma_wait3A_78 = arith.constant 0 : i32
      %dma_wait3A_79 = arith.constant 0 : i32
      %dma_wait3A_80 = tpu.memref_slice %arg9[%select_n3A_51, %dma_wait3A_78, %dma_wait3A_79] : memref<2x128x64xf32, #tpu.memory_space<vmem>> -> memref<1x128x64xf32, #tpu.memory_space<vmem>>
      %dma_wait3A_81 = tpu.memref_squeeze %dma_wait3A_80 : memref<1x128x64xf32, #tpu.memory_space<vmem>> -> memref<128x64xf32, #tpu.memory_space<vmem>>
      %dma_wait3A_82 = arith.constant 0 : i32
      %dma_wait3A_83 = tpu.memref_slice %arg7[%add3A_40, %dma_wait3A_82] : memref<80x128xi32, #tpu.memory_space<vmem>> -> memref<1x128xi32, #tpu.memory_space<vmem>>
      %dma_wait3A_84 = tpu.memref_squeeze %dma_wait3A_83 : memref<1x128xi32, #tpu.memory_space<vmem>> -> memref<128xi32, #tpu.memory_space<vmem>>
      %dma_wait3A_85 = arith.constant 0 : i32
      %dma_wait3A_86 = arith.constant 0 : i32
      %dma_wait3A_87 = tpu.memref_slice %arg10[%dma_wait3A_85, %dma_wait3A_86] : memref<10240x64xf32, #tpu.memory_space<vmem_shared>> -> memref<10240x64xf32, #tpu.memory_space<vmem_shared>>
      tpu.wait_indirect_dma semaphore(%arg12 : memref<!tpu.dma_semaphore, #tpu.memory_space<semaphore_mem>>) src(%dma_wait3A_87 : memref<10240x64xf32, #tpu.memory_space<vmem_shared>>) dst(%dma_wait3A_81 : memref<128x64xf32, #tpu.memory_space<vmem>>)
    }
    %scan3A_28 = arith.constant 79 : i32
    %run_scoped3A = arith.constant 1 : i32
    %run_scoped3A_29 = arith.constant 79 : i32
    "tpu.region"() ({
      %run_scoped3A_34 = tpu.sem_alloc : memref<!tpu.dma_semaphore, #tpu.memory_space<semaphore_mem>>
      %dma_start3A_35 = arith.constant 0 : i32
      %dma_start3A_36 = arith.constant 0 : i32
      %dma_start3A_37 = tpu.memref_slice %arg9[%run_scoped3A, %dma_start3A_35, %dma_start3A_36] : memref<2x128x64xf32, #tpu.memory_space<vmem>> -> memref<1x128x64xf32, #tpu.memory_space<vmem>>
      %dma_start3A_38 = tpu.memref_squeeze %dma_start3A_37 : memref<1x128x64xf32, #tpu.memory_space<vmem>> -> memref<128x64xf32, #tpu.memory_space<vmem>>
      %dma_start3A_39 = arith.constant 0 : i32
      %dma_start3A_40 = tpu.memref_slice %arg8[%run_scoped3A_29, %dma_start3A_39] : memref<80x128xi32, #tpu.memory_space<vmem>> -> memref<1x128xi32, #tpu.memory_space<vmem>>
      %dma_start3A_41 = tpu.memref_squeeze %dma_start3A_40 : memref<1x128xi32, #tpu.memory_space<vmem>> -> memref<128xi32, #tpu.memory_space<vmem>>
      %dma_start3A_42 = arith.constant 0 : i32
      %dma_start3A_43 = arith.constant 0 : i32
      %dma_start3A_44 = tpu.memref_slice %arg11[%dma_start3A_42, %dma_start3A_43] : memref<10240x64xf32, #tpu.memory_space<vmem_shared>> -> memref<10240x64xf32, #tpu.memory_space<vmem_shared>>
      tpu.enqueue_indirect_dma source(%dma_start3A_38 : memref<128x64xf32, #tpu.memory_space<vmem>>) target(%dma_start3A_44 : memref<10240x64xf32, #tpu.memory_space<vmem_shared>>) offsets(%dma_start3A_41 : memref<128xi32, #tpu.memory_space<vmem>>) semaphore(%run_scoped3A_34 : memref<!tpu.dma_semaphore, #tpu.memory_space<semaphore_mem>>) {add = true}
      %dma_wait3A_45 = arith.constant 0 : i32
      %dma_wait3A_46 = arith.constant 0 : i32
      %dma_wait3A_47 = tpu.memref_slice %arg9[%run_scoped3A, %dma_wait3A_45, %dma_wait3A_46] : memref<2x128x64xf32, #tpu.memory_space<vmem>> -> memref<1x128x64xf32, #tpu.memory_space<vmem>>
      %dma_wait3A_48 = tpu.memref_squeeze %dma_wait3A_47 : memref<1x128x64xf32, #tpu.memory_space<vmem>> -> memref<128x64xf32, #tpu.memory_space<vmem>>
      %dma_wait3A_49 = arith.constant 0 : i32
      %dma_wait3A_50 = tpu.memref_slice %arg8[%run_scoped3A_29, %dma_wait3A_49] : memref<80x128xi32, #tpu.memory_space<vmem>> -> memref<1x128xi32, #tpu.memory_space<vmem>>
      %dma_wait3A_51 = tpu.memref_squeeze %dma_wait3A_50 : memref<1x128xi32, #tpu.memory_space<vmem>> -> memref<128xi32, #tpu.memory_space<vmem>>
      %dma_wait3A_52 = arith.constant 0 : i32
      %dma_wait3A_53 = arith.constant 0 : i32
      %dma_wait3A_54 = tpu.memref_slice %arg11[%dma_wait3A_52, %dma_wait3A_53] : memref<10240x64xf32, #tpu.memory_space<vmem_shared>> -> memref<10240x64xf32, #tpu.memory_space<vmem_shared>>
      tpu.wait_indirect_dma semaphore(%run_scoped3A_34 : memref<!tpu.dma_semaphore, #tpu.memory_space<semaphore_mem>>) src(%dma_wait3A_48 : memref<128x64xf32, #tpu.memory_space<vmem>>) dst(%dma_wait3A_54 : memref<10240x64xf32, #tpu.memory_space<vmem_shared>>)
      tpu.yield
    }) : () -> ()
    %barrier3A_30 = arith.constant 0 : index
    tpu.barrier barrier_id(%barrier3A_30)
    %mul3A_31 = arith.constant 10240 : i32
    %mul3A_32 = arith.muli %arg0, %mul3A_31 : i32
    %add3A_33 = arith.addi %mul3A_32, %mul3A_2 : i32
    "tpu.region"() ({
      %run_scoped3A_34 = tpu.sem_alloc : memref<!tpu.dma_semaphore, #tpu.memory_space<semaphore_mem>>
      %dma_start3A_35 = arith.constant 0 : i32
      %dma_start3A_36 = tpu.memref_slice %arg6[%add3A_33, %dma_start3A_35] : memref<20480x64xf32, #tpu.memory_space<hbm>> -> memref<640x64xf32, #tpu.memory_space<hbm>>
      %dma_start3A_37 = arith.constant 0 : i32
      %dma_start3A_38 = tpu.memref_slice %arg11[%mul3A_2, %dma_start3A_37] : memref<10240x64xf32, #tpu.memory_space<vmem_shared>> -> memref<640x64xf32, #tpu.memory_space<vmem_shared>>
      tpu.enqueue_dma source(%dma_start3A_38 : memref<640x64xf32, #tpu.memory_space<vmem_shared>>) target(%dma_start3A_36 : memref<640x64xf32, #tpu.memory_space<hbm>>) target_semaphore(%run_scoped3A_34 : memref<!tpu.dma_semaphore, #tpu.memory_space<semaphore_mem>>)
      %dma_wait3A_39 = arith.constant 0 : i32
      %dma_wait3A_40 = tpu.memref_slice %arg6[%add3A_33, %dma_wait3A_39] : memref<20480x64xf32, #tpu.memory_space<hbm>> -> memref<640x64xf32, #tpu.memory_space<hbm>>
      %dma_wait3A_41 = arith.constant 0 : i32
      %dma_wait3A_42 = tpu.memref_slice %arg11[%mul3A_2, %dma_wait3A_41] : memref<10240x64xf32, #tpu.memory_space<vmem_shared>> -> memref<640x64xf32, #tpu.memory_space<vmem_shared>>
      tpu.wait_dma2 semaphore(%run_scoped3A_34 : memref<!tpu.dma_semaphore, #tpu.memory_space<semaphore_mem>>) src(%dma_wait3A_42 : memref<640x64xf32, #tpu.memory_space<vmem_shared>>) dst(%dma_wait3A_40 : memref<640x64xf32, #tpu.memory_space<hbm>>)
      tpu.yield
    }) : () -> ()
    return
  }
}

#map = affine_map<(d0, d1) -> (0, 0)>
#map1 = affine_map<(d0, d1) -> (0, 0, 0)>
module attributes {stable_mosaic.version = 14 : i64} {
  func.func @body(%arg0: i32, %arg1: i32, %arg2: memref<10240x64xf32, #tpu.memory_space<hbm>>, %arg3: memref<32x80x128xi32, #tpu.memory_space<hbm>>, %arg4: memref<32x80x128xi32, #tpu.memory_space<hbm>>, %arg5: memref<640x64xf32, #tpu.memory_space<hbm>>, %arg6: memref<20480x64xf32, #tpu.memory_space<hbm>>, %arg7: memref<80x128xi32, #tpu.memory_space<vmem>>, %arg8: memref<80x128xi32, #tpu.memory_space<vmem>>, %arg9: memref<2x128x64xf32, #tpu.memory_space<vmem>>, %arg10: memref<10240x64xf32, #tpu.memory_space<vmem_shared>>, %arg11: memref<10240x64xf32, #tpu.memory_space<vmem_shared>>, %arg12: memref<!tpu.dma_semaphore, #tpu.memory_space<semaphore_mem>>) attributes {dimension_semantics = [#tpu.dimension_semantics<core_parallel>, #tpu.dimension_semantics<subcore_parallel>], iteration_bounds = array<i64: 2, 16>, scalar_prefetch = 0 : i64, scratch_operands = 6 : i64, tpu.core_type = #tpu.core_type<sc_vector_subcore>, window_params = [{transform_indices = #map}, {transform_indices = #map1}, {transform_indices = #map1}, {transform_indices = #map}, {transform_indices = #map}]} {
    %mul3A = arith.constant 2 : i32
    %mul3A_0 = arith.muli %arg1, %mul3A : i32
    %add3A = arith.addi %mul3A_0, %arg0 : i32
    "tpu.region"() ({
      %run_scoped3A_34 = tpu.sem_alloc : memref<!tpu.dma_semaphore, #tpu.memory_space<semaphore_mem>>
      %dma_start3A_35 = arith.constant 0 : i32
      %dma_start3A_36 = arith.constant 0 : i32
      %dma_start3A_37 = tpu.memref_slice %arg3[%add3A, %dma_start3A_35, %dma_start3A_36] : memref<32x80x128xi32, #tpu.memory_space<hbm>> -> memref<1x80x128xi32, #tpu.memory_space<hbm>>
      %dma_start3A_38 = tpu.memref_squeeze %dma_start3A_37 : memref<1x80x128xi32, #tpu.memory_space<hbm>> -> memref<80x128xi32, #tpu.memory_space<hbm>>
      %dma_start3A_39 = arith.constant 0 : i32
      %dma_start3A_40 = arith.constant 0 : i32
      %dma_start3A_41 = tpu.memref_slice %arg3[%add3A, %dma_start3A_39, %dma_start3A_40] : memref<32x80x128xi32, #tpu.memory_space<hbm>> -> memref<1x80x128xi32, #tpu.memory_space<hbm>>
      %dma_start3A_42 = tpu.memref_squeeze %dma_start3A_41 : memref<1x80x128xi32, #tpu.memory_space<hbm>> -> memref<80x128xi32, #tpu.memory_space<hbm>>
      tpu.enqueue_dma source(%dma_start3A_42 : memref<80x128xi32, #tpu.memory_space<hbm>>) target(%arg7 : memref<80x128xi32, #tpu.memory_space<vmem>>) target_semaphore(%run_scoped3A_34 : memref<!tpu.dma_semaphore, #tpu.memory_space<semaphore_mem>>)
      %dma_wait3A_43 = arith.constant 0 : i32
      %dma_wait3A_44 = arith.constant 0 : i32
      %dma_wait3A_45 = tpu.memref_slice %arg3[%add3A, %dma_wait3A_43, %dma_wait3A_44] : memref<32x80x128xi32, #tpu.memory_space<hbm>> -> memref<1x80x128xi32, #tpu.memory_space<hbm>>
      %dma_wait3A_46 = tpu.memref_squeeze %dma_wait3A_45 : memref<1x80x128xi32, #tpu.memory_space<hbm>> -> memref<80x128xi32, #tpu.memory_space<hbm>>
      %dma_wait3A_47 = arith.constant 0 : i32
      %dma_wait3A_48 = arith.constant 0 : i32
      %dma_wait3A_49 = tpu.memref_slice %arg3[%add3A, %dma_wait3A_47, %dma_wait3A_48] : memref<32x80x128xi32, #tpu.memory_space<hbm>> -> memref<1x80x128xi32, #tpu.memory_space<hbm>>
      %dma_wait3A_50 = tpu.memref_squeeze %dma_wait3A_49 : memref<1x80x128xi32, #tpu.memory_space<hbm>> -> memref<80x128xi32, #tpu.memory_space<hbm>>
      tpu.wait_dma2 semaphore(%run_scoped3A_34 : memref<!tpu.dma_semaphore, #tpu.memory_space<semaphore_mem>>) src(%dma_wait3A_50 : memref<80x128xi32, #tpu.memory_space<hbm>>) dst(%arg7 : memref<80x128xi32, #tpu.memory_space<vmem>>)
      tpu.yield
    }) : () -> ()
    "tpu.region"() ({
      %run_scoped3A_34 = tpu.sem_alloc : memref<!tpu.dma_semaphore, #tpu.memory_space<semaphore_mem>>
      %dma_start3A_35 = arith.constant 0 : i32
      %dma_start3A_36 = arith.constant 0 : i32
      %dma_start3A_37 = tpu.memref_slice %arg4[%add3A, %dma_start3A_35, %dma_start3A_36] : memref<32x80x128xi32, #tpu.memory_space<hbm>> -> memref<1x80x128xi32, #tpu.memory_space<hbm>>
      %dma_start3A_38 = tpu.memref_squeeze %dma_start3A_37 : memref<1x80x128xi32, #tpu.memory_space<hbm>> -> memref<80x128xi32, #tpu.memory_space<hbm>>
      %dma_start3A_39 = arith.constant 0 : i32
      %dma_start3A_40 = arith.constant 0 : i32
      %dma_start3A_41 = tpu.memref_slice %arg4[%add3A, %dma_start3A_39, %dma_start3A_40] : memref<32x80x128xi32, #tpu.memory_space<hbm>> -> memref<1x80x128xi32, #tpu.memory_space<hbm>>
      %dma_start3A_42 = tpu.memref_squeeze %dma_start3A_41 : memref<1x80x128xi32, #tpu.memory_space<hbm>> -> memref<80x128xi32, #tpu.memory_space<hbm>>
      tpu.enqueue_dma source(%dma_start3A_42 : memref<80x128xi32, #tpu.memory_space<hbm>>) target(%arg8 : memref<80x128xi32, #tpu.memory_space<vmem>>) target_semaphore(%run_scoped3A_34 : memref<!tpu.dma_semaphore, #tpu.memory_space<semaphore_mem>>)
      %dma_wait3A_43 = arith.constant 0 : i32
      %dma_wait3A_44 = arith.constant 0 : i32
      %dma_wait3A_45 = tpu.memref_slice %arg4[%add3A, %dma_wait3A_43, %dma_wait3A_44] : memref<32x80x128xi32, #tpu.memory_space<hbm>> -> memref<1x80x128xi32, #tpu.memory_space<hbm>>
      %dma_wait3A_46 = tpu.memref_squeeze %dma_wait3A_45 : memref<1x80x128xi32, #tpu.memory_space<hbm>> -> memref<80x128xi32, #tpu.memory_space<hbm>>
      %dma_wait3A_47 = arith.constant 0 : i32
      %dma_wait3A_48 = arith.constant 0 : i32
      %dma_wait3A_49 = tpu.memref_slice %arg4[%add3A, %dma_wait3A_47, %dma_wait3A_48] : memref<32x80x128xi32, #tpu.memory_space<hbm>> -> memref<1x80x128xi32, #tpu.memory_space<hbm>>
      %dma_wait3A_50 = tpu.memref_squeeze %dma_wait3A_49 : memref<1x80x128xi32, #tpu.memory_space<hbm>> -> memref<80x128xi32, #tpu.memory_space<hbm>>
      tpu.wait_dma2 semaphore(%run_scoped3A_34 : memref<!tpu.dma_semaphore, #tpu.memory_space<semaphore_mem>>) src(%dma_wait3A_50 : memref<80x128xi32, #tpu.memory_space<hbm>>) dst(%arg8 : memref<80x128xi32, #tpu.memory_space<vmem>>)
      tpu.yield
    }) : () -> ()
    %mul3A_1 = arith.constant 640 : i32
    %mul3A_2 = arith.muli %arg1, %mul3A_1 : i32
    "tpu.region"() ({
      %run_scoped3A_34 = tpu.sem_alloc : memref<!tpu.dma_semaphore, #tpu.memory_space<semaphore_mem>>
      %dma_start3A_35 = arith.constant 0 : i32
      %dma_start3A_36 = tpu.memref_slice %arg11[%mul3A_2, %dma_start3A_35] : memref<10240x64xf32, #tpu.memory_space<vmem_shared>> -> memref<640x64xf32, #tpu.memory_space<vmem_shared>>
      tpu.enqueue_dma source(%arg5 : memref<640x64xf32, #tpu.memory_space<hbm>>) target(%dma_start3A_36 : memref<640x64xf32, #tpu.memory_space<vmem_shared>>) target_semaphore(%run_scoped3A_34 : memref<!tpu.dma_semaphore, #tpu.memory_space<semaphore_mem>>)
      %dma_wait3A_37 = arith.constant 0 : i32
      %dma_wait3A_38 = tpu.memref_slice %arg11[%mul3A_2, %dma_wait3A_37] : memref<10240x64xf32, #tpu.memory_space<vmem_shared>> -> memref<640x64xf32, #tpu.memory_space<vmem_shared>>
      tpu.wait_dma2 semaphore(%run_scoped3A_34 : memref<!tpu.dma_semaphore, #tpu.memory_space<semaphore_mem>>) src(%arg5 : memref<640x64xf32, #tpu.memory_space<hbm>>) dst(%dma_wait3A_38 : memref<640x64xf32, #tpu.memory_space<vmem_shared>>)
      tpu.yield
    }) : () -> ()
    "tpu.region"() ({
      %run_scoped3A_34 = tpu.sem_alloc : memref<!tpu.dma_semaphore, #tpu.memory_space<semaphore_mem>>
      %dma_start3A_35 = arith.constant 0 : i32
      %dma_start3A_36 = tpu.memref_slice %arg10[%mul3A_2, %dma_start3A_35] : memref<10240x64xf32, #tpu.memory_space<vmem_shared>> -> memref<640x64xf32, #tpu.memory_space<vmem_shared>>
      %dma_start3A_37 = arith.constant 0 : i32
      %dma_start3A_38 = tpu.memref_slice %arg2[%mul3A_2, %dma_start3A_37] : memref<10240x64xf32, #tpu.memory_space<hbm>> -> memref<640x64xf32, #tpu.memory_space<hbm>>
      tpu.enqueue_dma source(%dma_start3A_38 : memref<640x64xf32, #tpu.memory_space<hbm>>) target(%dma_start3A_36 : memref<640x64xf32, #tpu.memory_space<vmem_shared>>) target_semaphore(%run_scoped3A_34 : memref<!tpu.dma_semaphore, #tpu.memory_space<semaphore_mem>>)
      %dma_wait3A_39 = arith.constant 0 : i32
      %dma_wait3A_40 = tpu.memref_slice %arg10[%mul3A_2, %dma_wait3A_39] : memref<10240x64xf32, #tpu.memory_space<vmem_shared>> -> memref<640x64xf32, #tpu.memory_space<vmem_shared>>
      %dma_wait3A_41 = arith.constant 0 : i32
      %dma_wait3A_42 = tpu.memref_slice %arg2[%mul3A_2, %dma_wait3A_41] : memref<10240x64xf32, #tpu.memory_space<hbm>> -> memref<640x64xf32, #tpu.memory_space<hbm>>
      tpu.wait_dma2 semaphore(%run_scoped3A_34 : memref<!tpu.dma_semaphore, #tpu.memory_space<semaphore_mem>>) src(%dma_wait3A_42 : memref<640x64xf32, #tpu.memory_space<hbm>>) dst(%dma_wait3A_40 : memref<640x64xf32, #tpu.memory_space<vmem_shared>>)
      tpu.yield
    }) : () -> ()
    %barrier3A = arith.constant 0 : index
    tpu.barrier barrier_id(%barrier3A)
    %dma_start3A = arith.constant 0 : i32
    %dma_start3A_3 = arith.constant 0 : i32
    %dma_start3A_4 = arith.constant 0 : i32
    %dma_start3A_5 = arith.constant 0 : i32
    %dma_start3A_6 = tpu.memref_slice %arg9[%dma_start3A_3, %dma_start3A_4, %dma_start3A_5] : memref<2x128x64xf32, #tpu.memory_space<vmem>> -> memref<1x128x64xf32, #tpu.memory_space<vmem>>
    %dma_start3A_7 = tpu.memref_squeeze %dma_start3A_6 : memref<1x128x64xf32, #tpu.memory_space<vmem>> -> memref<128x64xf32, #tpu.memory_space<vmem>>
    %dma_start3A_8 = arith.constant 0 : i32
    %dma_start3A_9 = tpu.memref_slice %arg7[%dma_start3A, %dma_start3A_8] : memref<80x128xi32, #tpu.memory_space<vmem>> -> memref<1x128xi32, #tpu.memory_space<vmem>>
    %dma_start3A_10 = tpu.memref_squeeze %dma_start3A_9 : memref<1x128xi32, #tpu.memory_space<vmem>> -> memref<128xi32, #tpu.memory_space<vmem>>
    %dma_start3A_11 = arith.constant 0 : i32
    %dma_start3A_12 = arith.constant 0 : i32
    %dma_start3A_13 = tpu.memref_slice %arg10[%dma_start3A_11, %dma_start3A_12] : memref<10240x64xf32, #tpu.memory_space<vmem_shared>> -> memref<10240x64xf32, #tpu.memory_space<vmem_shared>>
    tpu.enqueue_indirect_dma source(%dma_start3A_13 : memref<10240x64xf32, #tpu.memory_space<vmem_shared>>) target(%dma_start3A_7 : memref<128x64xf32, #tpu.memory_space<vmem>>) offsets(%dma_start3A_10 : memref<128xi32, #tpu.memory_space<vmem>>) semaphore(%arg12 : memref<!tpu.dma_semaphore, #tpu.memory_space<semaphore_mem>>)
    %dma_wait3A = arith.constant 0 : i32
    %dma_wait3A_14 = arith.constant 0 : i32
    %dma_wait3A_15 = arith.constant 0 : i32
    %dma_wait3A_16 = arith.constant 0 : i32
    %dma_wait3A_17 = tpu.memref_slice %arg9[%dma_wait3A_14, %dma_wait3A_15, %dma_wait3A_16] : memref<2x128x64xf32, #tpu.memory_space<vmem>> -> memref<1x128x64xf32, #tpu.memory_space<vmem>>
    %dma_wait3A_18 = tpu.memref_squeeze %dma_wait3A_17 : memref<1x128x64xf32, #tpu.memory_space<vmem>> -> memref<128x64xf32, #tpu.memory_space<vmem>>
    %dma_wait3A_19 = arith.constant 0 : i32
    %dma_wait3A_20 = tpu.memref_slice %arg7[%dma_wait3A, %dma_wait3A_19] : memref<80x128xi32, #tpu.memory_space<vmem>> -> memref<1x128xi32, #tpu.memory_space<vmem>>
    %dma_wait3A_21 = tpu.memref_squeeze %dma_wait3A_20 : memref<1x128xi32, #tpu.memory_space<vmem>> -> memref<128xi32, #tpu.memory_space<vmem>>
    %dma_wait3A_22 = arith.constant 0 : i32
    %dma_wait3A_23 = arith.constant 0 : i32
    %dma_wait3A_24 = tpu.memref_slice %arg10[%dma_wait3A_22, %dma_wait3A_23] : memref<10240x64xf32, #tpu.memory_space<vmem_shared>> -> memref<10240x64xf32, #tpu.memory_space<vmem_shared>>
    tpu.wait_indirect_dma semaphore(%arg12 : memref<!tpu.dma_semaphore, #tpu.memory_space<semaphore_mem>>) src(%dma_wait3A_24 : memref<10240x64xf32, #tpu.memory_space<vmem_shared>>) dst(%dma_wait3A_18 : memref<128x64xf32, #tpu.memory_space<vmem>>)
    %scan3A = arith.constant 0 : i32
    %scan3A_25 = arith.constant 79 : i32
    %scan3A_26 = arith.addi %scan3A, %scan3A_25 : i32
    %scan3A_27 = arith.constant 1 : i32
    scf.for %scan3A_34 = %scan3A to %scan3A_26 step %scan3A_27  : i32 {
      %mul3A_35 = arith.constant 1 : i32
      %mul3A_36 = arith.muli %scan3A_34, %mul3A_35 : i32
      %add3A_37 = arith.constant 0 : i32
      %add3A_38 = arith.addi %add3A_37, %mul3A_36 : i32
      %add3A_39 = arith.constant 1 : i32
      %add3A_40 = arith.addi %add3A_38, %add3A_39 : i32
      %add3A_41 = arith.constant 1 : i32
      %add3A_42 = arith.addi %add3A_38, %add3A_41 : i32
      %jit3A = arith.constant 2 : i32
      %eq3A = arith.constant 0 : i32
      %eq3A_43 = arith.cmpi eq, %jit3A, %eq3A : i32
      %jit3A_44 = arith.constant 1 : i32
      %select_n3A = arith.select %eq3A_43, %jit3A_44, %jit3A : i32
      %rem3A = arith.remsi %add3A_42, %select_n3A : i32
      %ne3A = arith.constant 0 : i32
      %ne3A_45 = arith.cmpi ne, %rem3A, %ne3A : i32
      %lt3A = arith.constant 0 : i32
      %lt3A_46 = arith.cmpi slt, %rem3A, %lt3A : i32
      %lt3A_47 = arith.constant 0 : i32
      %lt3A_48 = arith.cmpi slt, %select_n3A, %lt3A_47 : i32
      %ne3A_49 = arith.xori %lt3A_46, %lt3A_48 : i1
      %and3A = arith.andi %ne3A_49, %ne3A_45 : i1
      %add3A_50 = arith.addi %rem3A, %select_n3A : i32
      %select_n3A_51 = arith.select %and3A, %add3A_50, %rem3A : i32
      %dma_start3A_52 = arith.constant 0 : i32
      %dma_start3A_53 = arith.constant 0 : i32
      %dma_start3A_54 = tpu.memref_slice %arg9[%select_n3A_51, %dma_start3A_52, %dma_start3A_53] : memref<2x128x64xf32, #tpu.memory_space<vmem>> -> memref<1x128x64xf32, #tpu.memory_space<vmem>>
      %dma_start3A_55 = tpu.memref_squeeze %dma_start3A_54 : memref<1x128x64xf32, #tpu.memory_space<vmem>> -> memref<128x64xf32, #tpu.memory_space<vmem>>
      %dma_start3A_56 = arith.constant 0 : i32
      %dma_start3A_57 = tpu.memref_slice %arg7[%add3A_40, %dma_start3A_56] : memref<80x128xi32, #tpu.memory_space<vmem>> -> memref<1x128xi32, #tpu.memory_space<vmem>>
      %dma_start3A_58 = tpu.memref_squeeze %dma_start3A_57 : memref<1x128xi32, #tpu.memory_space<vmem>> -> memref<128xi32, #tpu.memory_space<vmem>>
      %dma_start3A_59 = arith.constant 0 : i32
      %dma_start3A_60 = arith.constant 0 : i32
      %dma_start3A_61 = tpu.memref_slice %arg10[%dma_start3A_59, %dma_start3A_60] : memref<10240x64xf32, #tpu.memory_space<vmem_shared>> -> memref<10240x64xf32, #tpu.memory_space<vmem_shared>>
      tpu.enqueue_indirect_dma source(%dma_start3A_61 : memref<10240x64xf32, #tpu.memory_space<vmem_shared>>) target(%dma_start3A_55 : memref<128x64xf32, #tpu.memory_space<vmem>>) offsets(%dma_start3A_58 : memref<128xi32, #tpu.memory_space<vmem>>) semaphore(%arg12 : memref<!tpu.dma_semaphore, #tpu.memory_space<semaphore_mem>>)
      %jit3A_62 = arith.constant 2 : i32
      %eq3A_63 = arith.constant 0 : i32
      %eq3A_64 = arith.cmpi eq, %jit3A_62, %eq3A_63 : i32
      %jit3A_65 = arith.constant 1 : i32
      %select_n3A_66 = arith.select %eq3A_64, %jit3A_65, %jit3A_62 : i32
      %rem3A_67 = arith.remsi %add3A_38, %select_n3A_66 : i32
      %ne3A_68 = arith.constant 0 : i32
      %ne3A_69 = arith.cmpi ne, %rem3A_67, %ne3A_68 : i32
      %lt3A_70 = arith.constant 0 : i32
      %lt3A_71 = arith.cmpi slt, %rem3A_67, %lt3A_70 : i32
      %lt3A_72 = arith.constant 0 : i32
      %lt3A_73 = arith.cmpi slt, %select_n3A_66, %lt3A_72 : i32
      %ne3A_74 = arith.xori %lt3A_71, %lt3A_73 : i1
      %and3A_75 = arith.andi %ne3A_74, %ne3A_69 : i1
      %add3A_76 = arith.addi %rem3A_67, %select_n3A_66 : i32
      %select_n3A_77 = arith.select %and3A_75, %add3A_76, %rem3A_67 : i32
      "tpu.region"() ({
        %run_scoped3A_88 = tpu.sem_alloc : memref<!tpu.dma_semaphore, #tpu.memory_space<semaphore_mem>>
        %dma_start3A_89 = arith.constant 0 : i32
        %dma_start3A_90 = arith.constant 0 : i32
        %dma_start3A_91 = tpu.memref_slice %arg9[%select_n3A_77, %dma_start3A_89, %dma_start3A_90] : memref<2x128x64xf32, #tpu.memory_space<vmem>> -> memref<1x128x64xf32, #tpu.memory_space<vmem>>
        %dma_start3A_92 = tpu.memref_squeeze %dma_start3A_91 : memref<1x128x64xf32, #tpu.memory_space<vmem>> -> memref<128x64xf32, #tpu.memory_space<vmem>>
        %dma_start3A_93 = arith.constant 0 : i32
        %dma_start3A_94 = tpu.memref_slice %arg8[%add3A_38, %dma_start3A_93] : memref<80x128xi32, #tpu.memory_space<vmem>> -> memref<1x128xi32, #tpu.memory_space<vmem>>
        %dma_start3A_95 = tpu.memref_squeeze %dma_start3A_94 : memref<1x128xi32, #tpu.memory_space<vmem>> -> memref<128xi32, #tpu.memory_space<vmem>>
        %dma_start3A_96 = arith.constant 0 : i32
        %dma_start3A_97 = arith.constant 0 : i32
        %dma_start3A_98 = tpu.memref_slice %arg11[%dma_start3A_96, %dma_start3A_97] : memref<10240x64xf32, #tpu.memory_space<vmem_shared>> -> memref<10240x64xf32, #tpu.memory_space<vmem_shared>>
        tpu.enqueue_indirect_dma source(%dma_start3A_92 : memref<128x64xf32, #tpu.memory_space<vmem>>) target(%dma_start3A_98 : memref<10240x64xf32, #tpu.memory_space<vmem_shared>>) offsets(%dma_start3A_95 : memref<128xi32, #tpu.memory_space<vmem>>) semaphore(%run_scoped3A_88 : memref<!tpu.dma_semaphore, #tpu.memory_space<semaphore_mem>>) {add = true}
        %dma_wait3A_99 = arith.constant 0 : i32
        %dma_wait3A_100 = arith.constant 0 : i32
        %dma_wait3A_101 = tpu.memref_slice %arg9[%select_n3A_77, %dma_wait3A_99, %dma_wait3A_100] : memref<2x128x64xf32, #tpu.memory_space<vmem>> -> memref<1x128x64xf32, #tpu.memory_space<vmem>>
        %dma_wait3A_102 = tpu.memref_squeeze %dma_wait3A_101 : memref<1x128x64xf32, #tpu.memory_space<vmem>> -> memref<128x64xf32, #tpu.memory_space<vmem>>
        %dma_wait3A_103 = arith.constant 0 : i32
        %dma_wait3A_104 = tpu.memref_slice %arg8[%add3A_38, %dma_wait3A_103] : memref<80x128xi32, #tpu.memory_space<vmem>> -> memref<1x128xi32, #tpu.memory_space<vmem>>
        %dma_wait3A_105 = tpu.memref_squeeze %dma_wait3A_104 : memref<1x128xi32, #tpu.memory_space<vmem>> -> memref<128xi32, #tpu.memory_space<vmem>>
        %dma_wait3A_106 = arith.constant 0 : i32
        %dma_wait3A_107 = arith.constant 0 : i32
        %dma_wait3A_108 = tpu.memref_slice %arg11[%dma_wait3A_106, %dma_wait3A_107] : memref<10240x64xf32, #tpu.memory_space<vmem_shared>> -> memref<10240x64xf32, #tpu.memory_space<vmem_shared>>
        tpu.wait_indirect_dma semaphore(%run_scoped3A_88 : memref<!tpu.dma_semaphore, #tpu.memory_space<semaphore_mem>>) src(%dma_wait3A_102 : memref<128x64xf32, #tpu.memory_space<vmem>>) dst(%dma_wait3A_108 : memref<10240x64xf32, #tpu.memory_space<vmem_shared>>)
        tpu.yield
      }) : () -> ()
      %dma_wait3A_78 = arith.constant 0 : i32
      %dma_wait3A_79 = arith.constant 0 : i32
      %dma_wait3A_80 = tpu.memref_slice %arg9[%select_n3A_51, %dma_wait3A_78, %dma_wait3A_79] : memref<2x128x64xf32, #tpu.memory_space<vmem>> -> memref<1x128x64xf32, #tpu.memory_space<vmem>>
      %dma_wait3A_81 = tpu.memref_squeeze %dma_wait3A_80 : memref<1x128x64xf32, #tpu.memory_space<vmem>> -> memref<128x64xf32, #tpu.memory_space<vmem>>
      %dma_wait3A_82 = arith.constant 0 : i32
      %dma_wait3A_83 = tpu.memref_slice %arg7[%add3A_40, %dma_wait3A_82] : memref<80x128xi32, #tpu.memory_space<vmem>> -> memref<1x128xi32, #tpu.memory_space<vmem>>
      %dma_wait3A_84 = tpu.memref_squeeze %dma_wait3A_83 : memref<1x128xi32, #tpu.memory_space<vmem>> -> memref<128xi32, #tpu.memory_space<vmem>>
      %dma_wait3A_85 = arith.constant 0 : i32
      %dma_wait3A_86 = arith.constant 0 : i32
      %dma_wait3A_87 = tpu.memref_slice %arg10[%dma_wait3A_85, %dma_wait3A_86] : memref<10240x64xf32, #tpu.memory_space<vmem_shared>> -> memref<10240x64xf32, #tpu.memory_space<vmem_shared>>
      tpu.wait_indirect_dma semaphore(%arg12 : memref<!tpu.dma_semaphore, #tpu.memory_space<semaphore_mem>>) src(%dma_wait3A_87 : memref<10240x64xf32, #tpu.memory_space<vmem_shared>>) dst(%dma_wait3A_81 : memref<128x64xf32, #tpu.memory_space<vmem>>)
    }
    %scan3A_28 = arith.constant 79 : i32
    %run_scoped3A = arith.constant 1 : i32
    %run_scoped3A_29 = arith.constant 79 : i32
    "tpu.region"() ({
      %run_scoped3A_34 = tpu.sem_alloc : memref<!tpu.dma_semaphore, #tpu.memory_space<semaphore_mem>>
      %dma_start3A_35 = arith.constant 0 : i32
      %dma_start3A_36 = arith.constant 0 : i32
      %dma_start3A_37 = tpu.memref_slice %arg9[%run_scoped3A, %dma_start3A_35, %dma_start3A_36] : memref<2x128x64xf32, #tpu.memory_space<vmem>> -> memref<1x128x64xf32, #tpu.memory_space<vmem>>
      %dma_start3A_38 = tpu.memref_squeeze %dma_start3A_37 : memref<1x128x64xf32, #tpu.memory_space<vmem>> -> memref<128x64xf32, #tpu.memory_space<vmem>>
      %dma_start3A_39 = arith.constant 0 : i32
      %dma_start3A_40 = tpu.memref_slice %arg8[%run_scoped3A_29, %dma_start3A_39] : memref<80x128xi32, #tpu.memory_space<vmem>> -> memref<1x128xi32, #tpu.memory_space<vmem>>
      %dma_start3A_41 = tpu.memref_squeeze %dma_start3A_40 : memref<1x128xi32, #tpu.memory_space<vmem>> -> memref<128xi32, #tpu.memory_space<vmem>>
      %dma_start3A_42 = arith.constant 0 : i32
      %dma_start3A_43 = arith.constant 0 : i32
      %dma_start3A_44 = tpu.memref_slice %arg11[%dma_start3A_42, %dma_start3A_43] : memref<10240x64xf32, #tpu.memory_space<vmem_shared>> -> memref<10240x64xf32, #tpu.memory_space<vmem_shared>>
      tpu.enqueue_indirect_dma source(%dma_start3A_38 : memref<128x64xf32, #tpu.memory_space<vmem>>) target(%dma_start3A_44 : memref<10240x64xf32, #tpu.memory_space<vmem_shared>>) offsets(%dma_start3A_41 : memref<128xi32, #tpu.memory_space<vmem>>) semaphore(%run_scoped3A_34 : memref<!tpu.dma_semaphore, #tpu.memory_space<semaphore_mem>>) {add = true}
      %dma_wait3A_45 = arith.constant 0 : i32
      %dma_wait3A_46 = arith.constant 0 : i32
      %dma_wait3A_47 = tpu.memref_slice %arg9[%run_scoped3A, %dma_wait3A_45, %dma_wait3A_46] : memref<2x128x64xf32, #tpu.memory_space<vmem>> -> memref<1x128x64xf32, #tpu.memory_space<vmem>>
      %dma_wait3A_48 = tpu.memref_squeeze %dma_wait3A_47 : memref<1x128x64xf32, #tpu.memory_space<vmem>> -> memref<128x64xf32, #tpu.memory_space<vmem>>
      %dma_wait3A_49 = arith.constant 0 : i32
      %dma_wait3A_50 = tpu.memref_slice %arg8[%run_scoped3A_29, %dma_wait3A_49] : memref<80x128xi32, #tpu.memory_space<vmem>> -> memref<1x128xi32, #tpu.memory_space<vmem>>
      %dma_wait3A_51 = tpu.memref_squeeze %dma_wait3A_50 : memref<1x128xi32, #tpu.memory_space<vmem>> -> memref<128xi32, #tpu.memory_space<vmem>>
      %dma_wait3A_52 = arith.constant 0 : i32
      %dma_wait3A_53 = arith.constant 0 : i32
      %dma_wait3A_54 = tpu.memref_slice %arg11[%dma_wait3A_52, %dma_wait3A_53] : memref<10240x64xf32, #tpu.memory_space<vmem_shared>> -> memref<10240x64xf32, #tpu.memory_space<vmem_shared>>
      tpu.wait_indirect_dma semaphore(%run_scoped3A_34 : memref<!tpu.dma_semaphore, #tpu.memory_space<semaphore_mem>>) src(%dma_wait3A_48 : memref<128x64xf32, #tpu.memory_space<vmem>>) dst(%dma_wait3A_54 : memref<10240x64xf32, #tpu.memory_space<vmem_shared>>)
      tpu.yield
    }) : () -> ()
    %barrier3A_30 = arith.constant 0 : index
    tpu.barrier barrier_id(%barrier3A_30)
    %mul3A_31 = arith.constant 10240 : i32
    %mul3A_32 = arith.muli %arg0, %mul3A_31 : i32
    %add3A_33 = arith.addi %mul3A_32, %mul3A_2 : i32
    "tpu.region"() ({
      %run_scoped3A_34 = tpu.sem_alloc : memref<!tpu.dma_semaphore, #tpu.memory_space<semaphore_mem>>
      %dma_start3A_35 = arith.constant 0 : i32
      %dma_start3A_36 = tpu.memref_slice %arg6[%add3A_33, %dma_start3A_35] : memref<20480x64xf32, #tpu.memory_space<hbm>> -> memref<640x64xf32, #tpu.memory_space<hbm>>
      %dma_start3A_37 = arith.constant 0 : i32
      %dma_start3A_38 = tpu.memref_slice %arg11[%mul3A_2, %dma_start3A_37] : memref<10240x64xf32, #tpu.memory_space<vmem_shared>> -> memref<640x64xf32, #tpu.memory_space<vmem_shared>>
      tpu.enqueue_dma source(%dma_start3A_38 : memref<640x64xf32, #tpu.memory_space<vmem_shared>>) target(%dma_start3A_36 : memref<640x64xf32, #tpu.memory_space<hbm>>) target_semaphore(%run_scoped3A_34 : memref<!tpu.dma_semaphore, #tpu.memory_space<semaphore_mem>>)
      %dma_wait3A_39 = arith.constant 0 : i32
      %dma_wait3A_40 = tpu.memref_slice %arg6[%add3A_33, %dma_wait3A_39] : memref<20480x64xf32, #tpu.memory_space<hbm>> -> memref<640x64xf32, #tpu.memory_space<hbm>>
      %dma_wait3A_41 = arith.constant 0 : i32
      %dma_wait3A_42 = tpu.memref_slice %arg11[%mul3A_2, %dma_wait3A_41] : memref<10240x64xf32, #tpu.memory_space<vmem_shared>> -> memref<640x64xf32, #tpu.memory_space<vmem_shared>>
      tpu.wait_dma2 semaphore(%run_scoped3A_34 : memref<!tpu.dma_semaphore, #tpu.memory_space<semaphore_mem>>) src(%dma_wait3A_42 : memref<640x64xf32, #tpu.memory_space<vmem_shared>>) dst(%dma_wait3A_40 : memref<640x64xf32, #tpu.memory_space<hbm>>)
      tpu.yield
    }) : () -> ()
    return
  }
}

module attributes {stable_mosaic.version = 14 : i64} {
  func.func @_mm_body(%arg0: i32, %arg1: memref<1024x128xf32, #tpu.memory_space<vmem>>, %arg2: memref<128x128xf32, #tpu.memory_space<vmem>>, %arg3: memref<1024x128xf32, #tpu.memory_space<vmem>>) attributes {dimension_semantics = [#tpu.dimension_semantics<arbitrary>], iteration_bounds = array<i64: 10>, scalar_prefetch = 0 : i64, scratch_operands = 0 : i64, tpu.core_type = #tpu.core_type<tc>, window_params = [{transform_indices = @transform_0, window_bounds = array<i64: 1024, 128>}, {pipeline_mode = #tpu.pipeline_mode<synchronous>, transform_indices = @transform_1, window_bounds = array<i64: 128, 128>}, {transform_indices = @transform_2, window_bounds = array<i64: 1024, 128>}]} {
    %get3A = arith.constant 0 : index
    %get3A_0 = arith.constant 0 : index
    %get3A_1 = vector.load %arg1[%get3A, %get3A_0] : memref<1024x128xf32, #tpu.memory_space<vmem>>, vector<1024x128xf32>
    %get3A_2 = arith.constant 0 : index
    %get3A_3 = arith.constant 0 : index
    %get3A_4 = vector.load %arg2[%get3A_2, %get3A_3] : memref<128x128xf32, #tpu.memory_space<vmem>>, vector<128x128xf32>
    %dot_general3A = arith.constant dense<0.000000e+00> : vector<1024x128xf32>
    %dot_general3A_5 = tpu.matmul %get3A_1, %get3A_4, %dot_general3A {dimension_numbers = #tpu.dot_dimension_numbers<[1], [0], [0], [1], [0, 0, 1, 1], [], []>, transpose_lhs_hint = false} : vector<1024x128xf32>, vector<128x128xf32>, vector<1024x128xf32> -> vector<1024x128xf32>
    %swap3A = arith.constant 0 : index
    %swap3A_6 = arith.constant 0 : index
    %swap3A_7 = vector.load %arg3[%swap3A, %swap3A_6] : memref<1024x128xf32, #tpu.memory_space<vmem>>, vector<1024x128xf32>
    tpu.vector_store %arg3[%swap3A, %swap3A_6], %dot_general3A_5 {strides = array<i32>} : memref<1024x128xf32, #tpu.memory_space<vmem>>, vector<1024x128xf32>,
    return
  }
  func.func @transform_0(%arg0: i32) -> (i32, i32) {
    %c0_i32 = arith.constant 0 : i32
    %c0_i32_0 = arith.constant 0 : i32
    return %arg0, %c0_i32 : i32, i32
  }
  func.func @transform_1(%arg0: i32) -> (i32, i32) {
    %c0_i32 = arith.constant 0 : i32
    %c0_i32_0 = arith.constant 0 : i32
    %c0_i32_1 = arith.constant 0 : i32
    return %c0_i32, %c0_i32_0 : i32, i32
  }
  func.func @transform_2(%arg0: i32) -> (i32, i32) {
    %c0_i32 = arith.constant 0 : i32
    %c0_i32_0 = arith.constant 0 : i32
    return %arg0, %c0_i32 : i32, i32
  }
}

module attributes {stable_mosaic.version = 14 : i64} {
  func.func @_scale_body(%arg0: i32, %arg1: memref<1024x128xf32, #tpu.memory_space<vmem>>, %arg2: memref<2x1024x16xf32, #tpu.memory_space<vmem>>, %arg3: memref<1024x64xf32, #tpu.memory_space<vmem>>, %arg4: memref<1024x64xf32, #tpu.memory_space<vmem>>) attributes {dimension_semantics = [#tpu.dimension_semantics<arbitrary>], iteration_bounds = array<i64: 10>, scalar_prefetch = 0 : i64, scratch_operands = 0 : i64, tpu.core_type = #tpu.core_type<tc>, window_params = [{transform_indices = @transform_0, window_bounds = array<i64: 1024, 128>}, {transform_indices = @transform_1, window_bounds = array<i64: 2, 1024, 16>}, {transform_indices = @transform_2, window_bounds = array<i64: 1024, 64>}, {transform_indices = @transform_3, window_bounds = array<i64: 1024, 64>}]} {
    %get3A = arith.constant 0 : index
    %get3A_0 = arith.constant 0 : index
    %get3A_1 = vector.load %arg1[%get3A, %get3A_0] : memref<1024x128xf32, #tpu.memory_space<vmem>>, vector<1024x128xf32>
    %get3A_2 = arith.constant 0 : index
    %get3A_3 = arith.constant 0 : index
    %get3A_4 = arith.constant 0 : index
    %get3A_5 = vector.load %arg2[%get3A_2, %get3A_3, %get3A_4] : memref<2x1024x16xf32, #tpu.memory_space<vmem>>, vector<1x1024x1xf32>
    %get3A_6 = vector.shape_cast %get3A_5 : vector<1x1024x1xf32> to vector<1024x1xf32>
    %get3A_7 = arith.constant 1 : index
    %get3A_8 = arith.constant 0 : index
    %get3A_9 = arith.constant 0 : index
    %get3A_10 = vector.load %arg2[%get3A_7, %get3A_8, %get3A_9] : memref<2x1024x16xf32, #tpu.memory_space<vmem>>, vector<1x1024x1xf32>
    %get3A_11 = vector.shape_cast %get3A_10 : vector<1x1024x1xf32> to vector<1024x1xf32>
    %add3A = arith.addf %get3A_6, %get3A_11 : vector<1024x1xf32>
    %max3A = arith.constant 1.000000e+00 : f32
    %max3A_12 = vector.broadcast %max3A : f32 to vector<1024x1xf32>
    %max3A_13 = arith.maximumf %add3A, %max3A_12 : vector<1024x1xf32>
    %rsqrt3A = math.rsqrt %max3A_13 : vector<1024x1xf32>
    %mul3A = vector.broadcast %rsqrt3A : vector<1024x1xf32> to vector<1024x128xf32>
    %mul3A_14 = arith.mulf %get3A_1, %mul3A : vector<1024x128xf32>
    %slice3A = vector.extract_strided_slice %mul3A_14 {offsets = [0, 0], sizes = [1024, 64], strides = [1, 1]} : vector<1024x128xf32> to vector<1024x64xf32>
    %swap3A = arith.constant 0 : index
    %swap3A_15 = arith.constant 0 : index
    %swap3A_16 = vector.load %arg3[%swap3A, %swap3A_15] : memref<1024x64xf32, #tpu.memory_space<vmem>>, vector<1024x64xf32>
    tpu.vector_store %arg3[%swap3A, %swap3A_15], %slice3A {strides = array<i32>} : memref<1024x64xf32, #tpu.memory_space<vmem>>, vector<1024x64xf32>,
    %slice3A_17 = vector.extract_strided_slice %mul3A_14 {offsets = [0, 64], sizes = [1024, 64], strides = [1, 1]} : vector<1024x128xf32> to vector<1024x64xf32>
    %swap3A_18 = arith.constant 0 : index
    %swap3A_19 = arith.constant 0 : index
    %swap3A_20 = vector.load %arg4[%swap3A_18, %swap3A_19] : memref<1024x64xf32, #tpu.memory_space<vmem>>, vector<1024x64xf32>
    tpu.vector_store %arg4[%swap3A_18, %swap3A_19], %slice3A_17 {strides = array<i32>} : memref<1024x64xf32, #tpu.memory_space<vmem>>, vector<1024x64xf32>,
    return
  }
  func.func @transform_0(%arg0: i32) -> (i32, i32) {
    %c0_i32 = arith.constant 0 : i32
    %c0_i32_0 = arith.constant 0 : i32
    return %arg0, %c0_i32 : i32, i32
  }
  func.func @transform_1(%arg0: i32) -> (i32, i32, i32) {
    %c0_i32 = arith.constant 0 : i32
    %c0_i32_0 = arith.constant 0 : i32
    %c0_i32_1 = arith.constant 0 : i32
    return %c0_i32, %arg0, %c0_i32_0 : i32, i32, i32
  }
  func.func @transform_2(%arg0: i32) -> (i32, i32) {
    %c0_i32 = arith.constant 0 : i32
    %c0_i32_0 = arith.constant 0 : i32
    return %arg0, %c0_i32 : i32, i32
  }
  func.func @transform_3(%arg0: i32) -> (i32, i32) {
    %c0_i32 = arith.constant 0 : i32
    %c0_i32_0 = arith.constant 0 : i32
    return %arg0, %c0_i32 : i32, i32
  }
}

module attributes {stable_mosaic.version = 14 : i64} {
  func.func @_mid_body(%arg0: i32, %arg1: memref<2x1024x64xf32, #tpu.memory_space<vmem>>, %arg2: memref<2x1024x64xf32, #tpu.memory_space<vmem>>, %arg3: memref<2x1024x16xf32, #tpu.memory_space<vmem>>, %arg4: memref<2x1024x16xf32, #tpu.memory_space<vmem>>, %arg5: memref<1x128xf32, #tpu.memory_space<vmem>>, %arg6: memref<128x64xf32, #tpu.memory_space<vmem>>, %arg7: memref<1024x64xf32, #tpu.memory_space<vmem>>) attributes {dimension_semantics = [#tpu.dimension_semantics<arbitrary>], iteration_bounds = array<i64: 10>, scalar_prefetch = 0 : i64, scratch_operands = 0 : i64, tpu.core_type = #tpu.core_type<tc>, window_params = [{transform_indices = @transform_0, window_bounds = array<i64: 2, 1024, 64>}, {transform_indices = @transform_1, window_bounds = array<i64: 2, 1024, 64>}, {transform_indices = @transform_2, window_bounds = array<i64: 2, 1024, 16>}, {transform_indices = @transform_3, window_bounds = array<i64: 2, 1024, 16>}, {pipeline_mode = #tpu.pipeline_mode<synchronous>, transform_indices = @transform_4, window_bounds = array<i64: 1, 128>}, {pipeline_mode = #tpu.pipeline_mode<synchronous>, transform_indices = @transform_5, window_bounds = array<i64: 128, 64>}, {transform_indices = @transform_6, window_bounds = array<i64: 1024, 64>}]} {
    %get3A = arith.constant 0 : index
    %get3A_0 = arith.constant 0 : index
    %get3A_1 = arith.constant 0 : index
    %get3A_2 = vector.load %arg1[%get3A, %get3A_0, %get3A_1] : memref<2x1024x64xf32, #tpu.memory_space<vmem>>, vector<1x1024x64xf32>
    %get3A_3 = vector.shape_cast %get3A_2 : vector<1x1024x64xf32> to vector<1024x64xf32>
    %get3A_4 = arith.constant 1 : index
    %get3A_5 = arith.constant 0 : index
    %get3A_6 = arith.constant 0 : index
    %get3A_7 = vector.load %arg1[%get3A_4, %get3A_5, %get3A_6] : memref<2x1024x64xf32, #tpu.memory_space<vmem>>, vector<1x1024x64xf32>
    %get3A_8 = vector.shape_cast %get3A_7 : vector<1x1024x64xf32> to vector<1024x64xf32>
    %add3A = arith.addf %get3A_3, %get3A_8 : vector<1024x64xf32>
    %get3A_9 = arith.constant 0 : index
    %get3A_10 = arith.constant 0 : index
    %get3A_11 = arith.constant 0 : index
    %get3A_12 = vector.load %arg2[%get3A_9, %get3A_10, %get3A_11] : memref<2x1024x64xf32, #tpu.memory_space<vmem>>, vector<1x1024x64xf32>
    %get3A_13 = vector.shape_cast %get3A_12 : vector<1x1024x64xf32> to vector<1024x64xf32>
    %get3A_14 = arith.constant 1 : index
    %get3A_15 = arith.constant 0 : index
    %get3A_16 = arith.constant 0 : index
    %get3A_17 = vector.load %arg2[%get3A_14, %get3A_15, %get3A_16] : memref<2x1024x64xf32, #tpu.memory_space<vmem>>, vector<1x1024x64xf32>
    %get3A_18 = vector.shape_cast %get3A_17 : vector<1x1024x64xf32> to vector<1024x64xf32>
    %add3A_19 = arith.addf %get3A_13, %get3A_18 : vector<1024x64xf32>
    %concatenate3A = tpu.concatenate %add3A, %add3A_19 in 1 : vector<1024x64xf32>, vector<1024x64xf32> -> vector<1024x128xf32>
    %get3A_20 = arith.constant 0 : index
    %get3A_21 = arith.constant 0 : index
    %get3A_22 = arith.constant 0 : index
    %get3A_23 = vector.load %arg3[%get3A_20, %get3A_21, %get3A_22] : memref<2x1024x16xf32, #tpu.memory_space<vmem>>, vector<1x1024x1xf32>
    %get3A_24 = vector.shape_cast %get3A_23 : vector<1x1024x1xf32> to vector<1024x1xf32>
    %get3A_25 = arith.constant 1 : index
    %get3A_26 = arith.constant 0 : index
    %get3A_27 = arith.constant 0 : index
    %get3A_28 = vector.load %arg3[%get3A_25, %get3A_26, %get3A_27] : memref<2x1024x16xf32, #tpu.memory_space<vmem>>, vector<1x1024x1xf32>
    %get3A_29 = vector.shape_cast %get3A_28 : vector<1x1024x1xf32> to vector<1024x1xf32>
    %add3A_30 = arith.addf %get3A_24, %get3A_29 : vector<1024x1xf32>
    %max3A = arith.constant 1.000000e+00 : f32
    %max3A_31 = vector.broadcast %max3A : f32 to vector<1024x1xf32>
    %max3A_32 = arith.maximumf %add3A_30, %max3A_31 : vector<1024x1xf32>
    %rsqrt3A = math.rsqrt %max3A_32 : vector<1024x1xf32>
    %mul3A = vector.broadcast %rsqrt3A : vector<1024x1xf32> to vector<1024x128xf32>
    %mul3A_33 = arith.mulf %concatenate3A, %mul3A : vector<1024x128xf32>
    %get3A_34 = arith.constant 0 : index
    %get3A_35 = arith.constant 0 : index
    %get3A_36 = vector.load %arg5[%get3A_34, %get3A_35] : memref<1x128xf32, #tpu.memory_space<vmem>>, vector<1x128xf32>
    %add3A_37 = vector.broadcast %get3A_36 : vector<1x128xf32> to vector<1024x128xf32>
    %add3A_38 = arith.addf %mul3A_33, %add3A_37 : vector<1024x128xf32>
    %max3A_39 = arith.constant 0.000000e+00 : f32
    %max3A_40 = vector.broadcast %max3A_39 : f32 to vector<1024x128xf32>
    %max3A_41 = arith.maximumf %add3A_38, %max3A_40 : vector<1024x128xf32>
    %get3A_42 = arith.constant 0 : index
    %get3A_43 = arith.constant 0 : index
    %get3A_44 = vector.load %arg6[%get3A_42, %get3A_43] : memref<128x64xf32, #tpu.memory_space<vmem>>, vector<128x64xf32>
    %dot_general3A = arith.constant dense<0.000000e+00> : vector<1024x64xf32>
    %dot_general3A_45 = tpu.matmul %max3A_41, %get3A_44, %dot_general3A {dimension_numbers = #tpu.dot_dimension_numbers<[1], [0], [0], [1], [0, 0, 1, 1], [], []>, transpose_lhs_hint = false} : vector<1024x128xf32>, vector<128x64xf32>, vector<1024x64xf32> -> vector<1024x64xf32>
    %get3A_46 = arith.constant 0 : index
    %get3A_47 = arith.constant 0 : index
    %get3A_48 = arith.constant 0 : index
    %get3A_49 = vector.load %arg4[%get3A_46, %get3A_47, %get3A_48] : memref<2x1024x16xf32, #tpu.memory_space<vmem>>, vector<1x1024x1xf32>
    %get3A_50 = vector.shape_cast %get3A_49 : vector<1x1024x1xf32> to vector<1024x1xf32>
    %get3A_51 = arith.constant 1 : index
    %get3A_52 = arith.constant 0 : index
    %get3A_53 = arith.constant 0 : index
    %get3A_54 = vector.load %arg4[%get3A_51, %get3A_52, %get3A_53] : memref<2x1024x16xf32, #tpu.memory_space<vmem>>, vector<1x1024x1xf32>
    %get3A_55 = vector.shape_cast %get3A_54 : vector<1x1024x1xf32> to vector<1024x1xf32>
    %add3A_56 = arith.addf %get3A_50, %get3A_55 : vector<1024x1xf32>
    %max3A_57 = arith.constant 1.000000e+00 : f32
    %max3A_58 = vector.broadcast %max3A_57 : f32 to vector<1024x1xf32>
    %max3A_59 = arith.maximumf %add3A_56, %max3A_58 : vector<1024x1xf32>
    %rsqrt3A_60 = math.rsqrt %max3A_59 : vector<1024x1xf32>
    %mul3A_61 = vector.broadcast %rsqrt3A_60 : vector<1024x1xf32> to vector<1024x64xf32>
    %mul3A_62 = arith.mulf %dot_general3A_45, %mul3A_61 : vector<1024x64xf32>
    %swap3A = arith.constant 0 : index
    %swap3A_63 = arith.constant 0 : index
    %swap3A_64 = vector.load %arg7[%swap3A, %swap3A_63] : memref<1024x64xf32, #tpu.memory_space<vmem>>, vector<1024x64xf32>
    tpu.vector_store %arg7[%swap3A, %swap3A_63], %mul3A_62 {strides = array<i32>} : memref<1024x64xf32, #tpu.memory_space<vmem>>, vector<1024x64xf32>,
    return
  }
  func.func @transform_0(%arg0: i32) -> (i32, i32, i32) {
    %c0_i32 = arith.constant 0 : i32
    %c0_i32_0 = arith.constant 0 : i32
    %c0_i32_1 = arith.constant 0 : i32
    return %c0_i32, %arg0, %c0_i32_0 : i32, i32, i32
  }
  func.func @transform_1(%arg0: i32) -> (i32, i32, i32) {
    %c0_i32 = arith.constant 0 : i32
    %c0_i32_0 = arith.constant 0 : i32
    %c0_i32_1 = arith.constant 0 : i32
    return %c0_i32, %arg0, %c0_i32_0 : i32, i32, i32
  }
  func.func @transform_2(%arg0: i32) -> (i32, i32, i32) {
    %c0_i32 = arith.constant 0 : i32
    %c0_i32_0 = arith.constant 0 : i32
    %c0_i32_1 = arith.constant 0 : i32
    return %c0_i32, %arg0, %c0_i32_0 : i32, i32, i32
  }
  func.func @transform_3(%arg0: i32) -> (i32, i32, i32) {
    %c0_i32 = arith.constant 0 : i32
    %c0_i32_0 = arith.constant 0 : i32
    %c0_i32_1 = arith.constant 0 : i32
    return %c0_i32, %arg0, %c0_i32_0 : i32, i32, i32
  }
  func.func @transform_4(%arg0: i32) -> (i32, i32) {
    %c0_i32 = arith.constant 0 : i32
    %c0_i32_0 = arith.constant 0 : i32
    %c0_i32_1 = arith.constant 0 : i32
    return %c0_i32, %c0_i32_0 : i32, i32
  }
  func.func @transform_5(%arg0: i32) -> (i32, i32) {
    %c0_i32 = arith.constant 0 : i32
    %c0_i32_0 = arith.constant 0 : i32
    %c0_i32_1 = arith.constant 0 : i32
    return %c0_i32, %c0_i32_0 : i32, i32
  }
  func.func @transform_6(%arg0: i32) -> (i32, i32) {
    %c0_i32 = arith.constant 0 : i32
    %c0_i32_0 = arith.constant 0 : i32
    return %arg0, %c0_i32 : i32, i32
  }
}

module attributes {stable_mosaic.version = 14 : i64} {
  func.func @_fin_body(%arg0: i32, %arg1: memref<2x1024x64xf32, #tpu.memory_space<vmem>>, %arg2: memref<2x1024x16xf32, #tpu.memory_space<vmem>>, %arg3: memref<1x64xf32, #tpu.memory_space<vmem>>, %arg4: memref<1024x64xf32, #tpu.memory_space<vmem>>) attributes {dimension_semantics = [#tpu.dimension_semantics<arbitrary>], iteration_bounds = array<i64: 10>, scalar_prefetch = 0 : i64, scratch_operands = 0 : i64, tpu.core_type = #tpu.core_type<tc>, window_params = [{transform_indices = @transform_0, window_bounds = array<i64: 2, 1024, 64>}, {transform_indices = @transform_1, window_bounds = array<i64: 2, 1024, 16>}, {pipeline_mode = #tpu.pipeline_mode<synchronous>, transform_indices = @transform_2, window_bounds = array<i64: 1, 64>}, {transform_indices = @transform_3, window_bounds = array<i64: 1024, 64>}]} {
    %get3A = arith.constant 0 : index
    %get3A_0 = arith.constant 0 : index
    %get3A_1 = arith.constant 0 : index
    %get3A_2 = vector.load %arg1[%get3A, %get3A_0, %get3A_1] : memref<2x1024x64xf32, #tpu.memory_space<vmem>>, vector<1x1024x64xf32>
    %get3A_3 = vector.shape_cast %get3A_2 : vector<1x1024x64xf32> to vector<1024x64xf32>
    %get3A_4 = arith.constant 1 : index
    %get3A_5 = arith.constant 0 : index
    %get3A_6 = arith.constant 0 : index
    %get3A_7 = vector.load %arg1[%get3A_4, %get3A_5, %get3A_6] : memref<2x1024x64xf32, #tpu.memory_space<vmem>>, vector<1x1024x64xf32>
    %get3A_8 = vector.shape_cast %get3A_7 : vector<1x1024x64xf32> to vector<1024x64xf32>
    %add3A = arith.addf %get3A_3, %get3A_8 : vector<1024x64xf32>
    %get3A_9 = arith.constant 0 : index
    %get3A_10 = arith.constant 0 : index
    %get3A_11 = arith.constant 0 : index
    %get3A_12 = vector.load %arg2[%get3A_9, %get3A_10, %get3A_11] : memref<2x1024x16xf32, #tpu.memory_space<vmem>>, vector<1x1024x1xf32>
    %get3A_13 = vector.shape_cast %get3A_12 : vector<1x1024x1xf32> to vector<1024x1xf32>
    %get3A_14 = arith.constant 1 : index
    %get3A_15 = arith.constant 0 : index
    %get3A_16 = arith.constant 0 : index
    %get3A_17 = vector.load %arg2[%get3A_14, %get3A_15, %get3A_16] : memref<2x1024x16xf32, #tpu.memory_space<vmem>>, vector<1x1024x1xf32>
    %get3A_18 = vector.shape_cast %get3A_17 : vector<1x1024x1xf32> to vector<1024x1xf32>
    %add3A_19 = arith.addf %get3A_13, %get3A_18 : vector<1024x1xf32>
    %max3A = arith.constant 1.000000e+00 : f32
    %max3A_20 = vector.broadcast %max3A : f32 to vector<1024x1xf32>
    %max3A_21 = arith.maximumf %add3A_19, %max3A_20 : vector<1024x1xf32>
    %rsqrt3A = math.rsqrt %max3A_21 : vector<1024x1xf32>
    %mul3A = vector.broadcast %rsqrt3A : vector<1024x1xf32> to vector<1024x64xf32>
    %mul3A_22 = arith.mulf %add3A, %mul3A : vector<1024x64xf32>
    %get3A_23 = arith.constant 0 : index
    %get3A_24 = arith.constant 0 : index
    %get3A_25 = vector.load %arg3[%get3A_23, %get3A_24] : memref<1x64xf32, #tpu.memory_space<vmem>>, vector<1x64xf32>
    %add3A_26 = vector.broadcast %get3A_25 : vector<1x64xf32> to vector<1024x64xf32>
    %add3A_27 = arith.addf %mul3A_22, %add3A_26 : vector<1024x64xf32>
    %swap3A = arith.constant 0 : index
    %swap3A_28 = arith.constant 0 : index
    %swap3A_29 = vector.load %arg4[%swap3A, %swap3A_28] : memref<1024x64xf32, #tpu.memory_space<vmem>>, vector<1024x64xf32>
    tpu.vector_store %arg4[%swap3A, %swap3A_28], %add3A_27 {strides = array<i32>} : memref<1024x64xf32, #tpu.memory_space<vmem>>, vector<1024x64xf32>,
    return
  }
  func.func @transform_0(%arg0: i32) -> (i32, i32, i32) {
    %c0_i32 = arith.constant 0 : i32
    %c0_i32_0 = arith.constant 0 : i32
    %c0_i32_1 = arith.constant 0 : i32
    return %c0_i32, %arg0, %c0_i32_0 : i32, i32, i32
  }
  func.func @transform_1(%arg0: i32) -> (i32, i32, i32) {
    %c0_i32 = arith.constant 0 : i32
    %c0_i32_0 = arith.constant 0 : i32
    %c0_i32_1 = arith.constant 0 : i32
    return %c0_i32, %arg0, %c0_i32_0 : i32, i32, i32
  }
  func.func @transform_2(%arg0: i32) -> (i32, i32) {
    %c0_i32 = arith.constant 0 : i32
    %c0_i32_0 = arith.constant 0 : i32
    %c0_i32_1 = arith.constant 0 : i32
    return %c0_i32, %c0_i32_0 : i32, i32
  }
  func.func @transform_3(%arg0: i32) -> (i32, i32) {
    %c0_i32 = arith.constant 0 : i32
    %c0_i32_0 = arith.constant 0 : i32
    return %arg0, %c0_i32 : i32, i32
  }
}

</mosaic_0001>

<sc_bundles>
// kernel: kernel.10.cloned.1.call-start
scs
__scs_entry_jumppad:
0x0: {  	(pc) =	sbr.rel $0x88, $3  }
0x1: {  	(tag) =	ssettag $0x0;
	lr =	simm.s32 $0x1  }
0x2: {  	[smem:$0x3F9B] =	sst lr;
	_ =	strace $0xD0000000  }
0x3: {  	_ = 	snop  }
0x4: {  	_ = 	snop  }
0x5: {  	_ = 	snop  }
0x6: {  	_ = 	snop  }
0x7: {  	_ = 	snop  }
__scs_overlays_trampoline_lowered:
0x8: {  	[smem:$0x3FAA] =	sst s0  }
0x9: {  	[smem:$0x3FAB] =	sst s1  }
0xa: {  	[smem:$0x3FAC] =	sst s2  }
0xb: {  	[smem:$0x3FAD] =	sst s3  }
0xc: {  	[smem:$0x3FAE] =	sst s4  }
0xd: {  	[smem:$0x3FAF] =	sst s5  }
0xe: {  	[smem:$0x3FB0] =	sst s6  }
0xf: {  	[smem:$0x3FB1] =	sst s7  }
0x10: {  	[smem:$0x3FB2] =	sst s8  }
0x11: {  	[smem:$0x3FB3] =	sst s9;
	s0 =	simm.s32 @!p0 $0x0  }
0x12: {  	s1 =	sld [smem:$0x3F99];
	s0 =	simm.s32 @p0 $0x1  }
0x13: {  	[smem:$0x3FB4] =	sst s0;
	s0 =	simm.s32 @!p1 $0x0  }
0x14: {  	s2 =	sld [smem:$0x3F98];
	s0 =	simm.s32 @p1 $0x1  }
0x15: {  	[smem:$0x3FB5] =	sst s0;
	s0 =	simm.s32 @!p2 $0x0  }
0x16: {  	s3 =	sld [smem:$0x3FDB];
	s0 =	simm.s32 @p2 $0x1  }
0x17: {  	s4 =	simm.s32 $0x1BF5;
	[smem:$0x3FB7] =	sst s0  }
0x18: {  	s0 =	sld [smem:$0x3F9A];
	_ =	swait.ge [sflag:s4], $0x0  }
0x19: {  	s7 =	sld [smem:$0x3F9B]  }
0x1a: {  	s8 =	sadd.s32 $0xFFFFE003, lr  }
0x1b: {  	s9 =	sadd.s32 $0xFFFFFEF7, lr;
	s5 =	simm.s32 $0xFFFFFFFF;
	p2 =	slt.u32 s8, $0xFFFFF086  }
0x1c: {  	p1 =	slt.u32 s9, $0xF7A;
	s5 =	simm.s32 @!p2 $0x0  }
0x1d: {  	s5 =	simm.s32 @p1 $0x1;
	p0 =	seq.s32 s7, s2  }
0x1e: {  	s7 =	smul.u32 @!p0 $0xF7A, s2;
	p2 =	seq.s32 @!p0 s5, $0x0  }
0x1f: {  	s9 =	smul.u32 $0xF7A, s1;
	s8 =	simm.s32 @!p0 $0x1BF5;
	p2 =	por !p2, p0  }
0x20: {  	[sflag:s8] =	ssyncset.s32 @!p0 $0xFFFFF086;
	s6 =	sadd.s32 @!p0 s3, s7;
	s7 =	simm.s32 @!p0 $0x108  }
0x21: {  	s3 =	sadd.s32 s3, s9;
	s6 =	sadd.s32 @!p0 $0x88, s6;
	s7 =	simm.s32 @p2 $0x1082  }
0x22: {  	[simem:s7], [sflag:s8] =	dma.local @!p0 [hbm:s6], $0xF7A  }
0x23: {  	s9 =	sor.u32 $0xD0000000, s2;
	s6 =	simm.s32 $0x108;
	_ =	swait.ge @!p0 [sflag:s8], $0x0  }
0x24: {  	s3 =	sadd.s32 $0x88, s3;
	s6 =	simm.s32 @!p1 $0x1082;
	[sflag:s4] =	ssyncset.s32 $0xFFFFF086  }
0x25: {  	[simem:s6], [sflag:s4] =	dma.local [hbm:s3], $0xF7A  }
0x26: {  	[smem:$0x3F9B] =	sst s1;
	(tag) =	ssettag s2;
	_ =	strace s9  }
0x27: {  	s1 =	sld [smem:$0x3FAB]  }
0x28: {  	s2 =	sld [smem:$0x3FAC]  }
0x29: {  	s4 =	sld [smem:$0x3FAE]  }
0x2a: {  	p0 =	seq.s32 s5, $0x0;
	s5 =	sld [smem:$0x3FAF]  }
0x2b: {  	s6 =	sld [smem:$0x3FB0]  }
0x2c: {  	s7 =	sld [smem:$0x3FB1]  }
0x2d: {  	s3 =	simm.s32 $0x108;
	s8 =	sld [smem:$0x3FB2]  }
0x2e: {  	s3 =	simm.s32 @!p0 $0x1082;
	s9 =	sld [smem:$0x3FB3]  }
0x2f: {  	lr =	sadd.s32 s0, s3;
	s0 =	sld [smem:$0x3FAA]  }
0x30: {  	s3 =	sld [smem:$0x3FAD]  }
0x31: {  	[smem:$0x3FB6] =	sst s10  }
0x32: {  	s10 =	sld [smem:$0x3FB4];
	_ =	sdelay $0x3  }
0x33: {  	p0 =	seq.s32 s10, $0x1;
	s10 =	sld [smem:$0x3FB6];
	_ =	sdelay $0x3  }
0x34: {  	[smem:$0x3FB6] =	sst s10  }
0x35: {  	s10 =	sld [smem:$0x3FB5];
	_ =	sdelay $0x3  }
0x36: {  	p1 =	seq.s32 s10, $0x1;
	s10 =	sld [smem:$0x3FB6];
	_ =	sdelay $0x3  }
0x37: {  	[smem:$0x3FB6] =	sst s10  }
0x38: {  	s10 =	sld [smem:$0x3FB7]  }
0x39: {  	_ = 	snop;
	(pc) =	sbr.ind lr, $3  }
0x3a: {  	_ = 	snop  }
0x3b: {  	_ = 	snop  }
0x3c: {  	p2 =	seq.s32 s10, $0x1;
	s10 =	sld [smem:$0x3FB6]  }
0x3d: {  	_ =	shalt  }
0x3e: {  	_ =	shalt  }
0x3f: {  	_ =	shalt  }
0x40: {  	_ =	shalt  }
0x41: {  	_ =	shalt  }
0x42: {  	_ =	shalt  }
0x43: {  	_ =	shalt  }
0x44: {  	_ =	shalt  }
0x45: {  	_ =	shalt  }
0x46: {  	_ =	shalt  }
0x47: {  	_ =	shalt  }
0x48: {  	_ =	shalt  }
0x49: {  	_ =	shalt  }
0x4a: {  	_ =	shalt  }
0x4b: {  	_ =	shalt  }
0x4c: {  	_ =	shalt  }
0x4d: {  	_ =	shalt  }
0x4e: {  	_ =	shalt  }
0x4f: {  	_ =	shalt  }
0x50: {  	_ =	shalt  }
0x51: {  	_ =	shalt  }
0x52: {  	_ =	shalt  }
0x53: {  	_ =	shalt  }
0x54: {  	_ =	shalt  }
0x55: {  	_ =	shalt  }
0x56: {  	_ =	shalt  }
0x57: {  	_ =	shalt  }
0x58: {  	_ =	shalt  }
0x59: {  	_ =	shalt  }
0x5a: {  	_ =	shalt  }
0x5b: {  	_ =	shalt  }
0x5c: {  	_ =	shalt  }
0x5d: {  	_ =	shalt  }
0x5e: {  	_ =	shalt  }
0x5f: {  	_ =	shalt  }
0x60: {  	_ =	shalt  }
0x61: {  	_ =	shalt  }
0x62: {  	_ =	shalt  }
0x63: {  	_ =	shalt  }
0x64: {  	_ =	shalt  }
0x65: {  	_ =	shalt  }
0x66: {  	_ =	shalt  }
0x67: {  	_ =	shalt  }
0x68: {  	_ =	shalt  }
0x69: {  	_ =	shalt  }
0x6a: {  	_ =	shalt  }
0x6b: {  	_ =	shalt  }
0x6c: {  	_ =	shalt  }
0x6d: {  	_ =	shalt  }
0x6e: {  	_ =	shalt  }
0x6f: {  	_ =	shalt  }
0x70: {  	_ =	shalt  }
0x71: {  	_ =	shalt  }
0x72: {  	_ =	shalt  }
0x73: {  	_ =	shalt  }
0x74: {  	_ =	shalt  }
0x75: {  	_ =	shalt  }
0x76: {  	_ =	shalt  }
0x77: {  	_ =	shalt  }
0x78: {  	_ =	shalt  }
0x79: {  	_ =	shalt  }
0x7a: {  	_ =	shalt  }
0x7b: {  	_ =	shalt  }
0x7c: {  	_ =	shalt  }
0x7d: {  	_ =	shalt  }
0x7e: {  	_ =	shalt  }
0x7f: {  	_ =	shalt  }
0x80: {  	_ =	shalt  }
0x81: {  	_ =	shalt  }
0x82: {  	_ =	shalt  }
0x83: {  	_ =	shalt  }
0x84: {  	_ =	shalt  }
0x85: {  	_ =	shalt  }
0x86: {  	_ =	shalt  }
0x87: {  	_ =	shalt  }
.Lfunc_end0:
.L_simem_size_0:
called_computation_lowered:
.L_overlay_start_0:
0x88: {  	s2 =	sld [smem:$0x3FD9]  }
0x89: {  	s3 =	sld [smem:$0x3FFE];
	_ =	sdelay $0x1  }
0x8a: {  	s1 =	srdreg.scid  }
0x8b: {  	s0 =	sand.u32 $0x1, s1  }
0x8c: {  	s17 =	sshll.u32 s0, $0xA;
	s2 =	sadd.s32 s3, s2  }
0x8d: {  	s2 =	sadd.s32 s2, s17  }
0x8e: {  	[smem:$0x3FC2] =	sst s2  }
0x8f: {  	_ = 	snop  }
0x90: {  	s2 =	sld [smem:$0x3FD0];
	(tm) =	ssettm $0x1  }
0x91: {  	s18 =	sld [smem:$0x3FFB];
	_ =	sdelay $0x3  }
0x92: {  	_ =	strace s18  }
0x93: {  	s3 =	sld [smem:$0x3FFC];
	_ =	sdelay $0x3  }
0x94: {  	_ =	strace s3  }
0x95: {  	s3 =	sld [smem:$0x3FFD];
	_ =	sdelay $0x3  }
0x96: {  	_ =	strace s3  }
0x97: {  	_ =	strace $0x8FFFFFFF  }
0x98: {  	s19 =	sld [smem:$0x3FDB];
	_ =	sdelay $0x1  }
0x99: {  	s4 =	simm.s32 $_scs_section_size  }
0x9a: {  	s5 =	simm.s32 $_size__tile_overlayer_lowered;
	s6 =	simm.s32 $_tile_overlayer_lowered  }
0x9b: {  	s22 =	simm.s32 $0x1BFF;
	s21 =	sshll.u32 s6, $0x1;
	s3 =	sadd.s32 s4, s19  }
0x9c: {  	s7 =	simm.s32 $0x0;
	s20 =	sshll.u32 s5, $0x1;
	s5 =	sadd.s32 s21, s3  }
0x9d: {  	[timem:s7], [sflag:s22] =	dma.local [hbm:s5], s20  }
0x9e: {  	_ =	swait.ge [sflag:s22], s20  }
0x9f: {  	s4 =	ssub.s32 $0x0, s20;
	[sflag:s22] =	ssyncset.done $0x0  }
0xa0: {  	[sflag:s22] =	ssyncadd.s32 s4;
	_ =	sdelay $0x1  }
0xa1: {  	s23 =	simm.s32 $0x1B8B  }
0xa2: {  	_ =	swait.ge [sflag:s23], $0x1  }
0xa3: {  	[sflag:s23] =	ssyncset.done $0x0  }
0xa4: {  	s25 =	simm.s32 $0x1B8E;
	s24 =	sld [smem:$0x3FFE];
	[sflag:s23] =	ssyncadd.s32 $0xFFFFFFFF  }
0xa5: {  	s26 =	simm.s32 $execute0_lowered;
	[smem:$0x3FD2] =	sst s25  }
0xa6: {  	s5 =	sshll.u32 s26, $0x1;
	_ =	strace $0x80000046;
	[dreg:$0x1] =	wrdreg $0xFFFFFFFF  }
0xa7: {  	s28 =	simm.s32 $_size_execute0_lowered;
	s3 =	sadd.s32 s3, s5;
	[dreg:$0x0] =	wrdreg $0x0  }
0xa8: {  	s5 =	sshll.u32 s28, $0x1;
	[dreg:$0x2] =	wrdreg s3  }
0xa9: {  	[dreg:$0x3] =	wrdreg s5  }
0xaa: {  	[dreg:$0x4] =	wrdreg $0xC0  }
0xab: {  	_ =	task [dreg:s7], $0x5FFFF  }
0xac: {  	[dreg:$0x1] =	wrdreg $0xFFFFFFFF  }
0xad: {  	[dreg:$0x0] =	wrdreg $0x60  }
0xae: {  	[dreg:$0x2] =	wrdreg s24  }
0xaf: {  	[dreg:$0x3] =	wrdreg s2  }
0xb0: {  	[dreg:$0x4] =	wrdreg $0x58000  }
0xb1: {  	[dreg:$0x5] =	wrdreg $0x80000  }
0xb2: {  	[dreg:$0x6] =	wrdreg $0x9  }
0xb3: {  	_ =	task.clear_ibuf [dreg:s7], $0x7FFFF;
	_ =	strace $0x90000046  }
0xb4: {  	s29 =	simm.s32 $0x9;
	_ =	strace $0x80000048  }
0xb5: {  	_ =	swait.ge [sflag:s29], $0x1  }
0xb6: {  	[sflag:s29] =	ssyncadd.s32 $0xFFFFFFFF  }
0xb7: {  	_ =	strace $0x90000048  }
0xb8: {  	_ =	sfence  }
0xb9: {  	s30 =	sld [smem:$0x0];
	_ =	sdelay $0x2  }
0xba: {  	s31 =	sshll.u32 s1, $0xD;
	s1 =	sshrl.u32 s1, $0x2  }
0xbb: {  	s3 =	sand.u32 $0x4000, s31;
	s1 =	sadd.s32 s1, s30  }
0xbc: {  	s0 =	sor.u32 s3, s0;
	s1 =	sshll.u32 s1, $0x11  }
0xbd: {  	s0 =	sor.u32 s1, s0  }
0xbe: {  	s0 =	sadd.s32 $0x8F2B, s0  }
0xbf: {  	[sflag:s0] =	ssyncadd.remote.s32 $0x1  }
0xc0: {  	_ =	sfence.sel $0xFFFF  }
0xc1: {  	[dreg:$0x0] =	wrdreg $0xFFFFFFFF;
	(pc) =	sbr.abs _section_cstart, $3  }
0xc2: {  	[dreg:$0x1] =	wrdreg $0xFFFFFFFF  }
0xc3: {  	_ =	task.clear_ibuf [dreg:s7], $0x2FFFF;
	_ =	strace $0x9FFFFFFF  }
0xc4: {  	(tm) =	ssettm $0x7FFFFFFF  }
0xc5: {  	_ =	shalt  }
tec
execute0_lowered:
.L_overlay_start_1:
0x0: {  	(tag) =	ssettag $0x1  }
0x1: {  	s7 =	rddreg [dreg:$0x0]  }
0x2: {  	s8 =	rddreg [dreg:$0x1]  }
0x3: {  	s1 =	srdreg.scid;
	s2 =	rddreg [dreg:$0x2]  }
0x4: {  	s0 =	stileid.u32;
	s3 =	rddreg [dreg:$0x3]  }
0x5: {  	s4 =	simm.s32 $0x0;
	s18 =	simm.s32 $0x80;
	s19 =	simm.s32 $0x0  }
0x6: {  	s9 =	sand.u32 $0x1, s1;
	s30 =	sshll.u32 s0, $0x1;
	s11 =	smul.u32 $0x280, s0  }
0x7: {  	[smem:$0x7FF] =	sst s4;
	s5 =	sadd.s32 $0xC200, s7;
	s6 =	sadd.s32 $0xC400, s7  }
0x8: {  	s14 =	smul.u32 $0x2800, s0;
	s15 =	sshll.u32 s0, $0x6;
	s1 =	sor.u32 s9, s30  }
0x9: {  	s12 =	smul.u32 $0x2800, s9;
	s9 =	ssub.s32 $0x2, s9;
	s15 =	sor.u32 $0x1C01, s15  }
0xa: {  	s10 =	smul.u32 $0x500, s1;
	s1 =	rddreg [dreg:$0x4];
	_ =	strace $0x80000047  }
0xb: {  	s31 =	sshrl.u32 s9, $0x1;
	s16 =	sadd.s32 s14, s2;
	s17 =	sadd.s32 s14, s3  }
0xc: {  	s14 =	simm.s32 $0x5000;
	s11 =	sadd.s32 s11, s12;
	s12 =	ssub.s32 s9, s31  }
0xd: {  	s16 =	sshrl.u32 s16, $0x3;
	s17 =	sshrl.u32 s17, $0x3;
	s11 =	sshll.u32 s11, $0x1  }
0xe: {  	s13 =	sadd.s32 s10, s7;
	s8 =	sadd.s32 s8, s10;
	s11 =	sadd.s32 s11, s7  }
0xf: {  	s7 =	sadd.s32 $0x2200, s13;
	s13 =	simm.s32 $0x2800;
	s9 =	sadd.s32 $0xCA00, s11  }
0x10: {  	s10 =	sadd.s32 $0x16A00, s11;
	s11 =	smax.u32 s12, $0x1;
	s12 =	simm.s32 $0x1  }
.LBB2_1:
0x11: {  	[tilespmem:s4], [sflag:$0x1] =	stream.linear.gather [hbm4b:s7+s4], $0x2800, $0x38;
	[tilespmem:$0xA800] =	vst v63  }
0x12: {  	_ =	swait.ge [sflag:s12], $0x2800  }
0x13: {  	[sflag:s12] =	ssyncset.done $0x0  }
0x14: {  	[sflag:s12] =	ssyncadd.s32 $0xFFFFD800  }
0x15: {  	[tilespmem:s13], [sflag:$0x1] =	stream.linear.gather [hbm4b:s8+s4], $0x2800, $0x38;
	[tilespmem:$0xA800] =	vst v63  }
0x16: {  	_ =	swait.ge [sflag:s12], $0x2800  }
0x17: {  	[sflag:s12] =	ssyncset.done $0x0  }
0x18: {  	[sflag:s12] =	ssyncadd.s32 $0xFFFFD800  }
0x19: {  	[tilespmem:s14], [sflag:$0x1] =	stream.linear.gather [hbm4b:s5+s4], $0x800, $0x38;
	[tilespmem:$0xA800] =	vst v63  }
0x1a: {  	_ =	swait.ge [sflag:s12], $0x800  }
0x1b: {  	[sflag:s12] =	ssyncset.done $0x0  }
0x1c: {  	[sflag:s12] =	ssyncadd.s32 $0xFFFFF800  }
0x1d: {  	[spmem:s16], [sflag:s15] =	dma.local [hbm:s6], $0x500  }
0x1e: {  	_ =	swait.ge [sflag:s12], $0x500  }
0x1f: {  	[sflag:s12] =	ssyncset.done $0x0  }
0x20: {  	[sflag:s12] =	ssyncadd.s32 $0xFFFFFB00  }
0x21: {  	[spmem:s17], [sflag:s15] =	dma.local [hbm:s6], $0x500  }
0x22: {  	_ =	swait.ge [sflag:s12], $0x500  }
0x23: {  	[sflag:s12] =	ssyncset.done $0x0  }
0x24: {  	[sflag:s12] =	ssyncadd.s32 $0xFFFFFB00  }
0x25: {  	s20 =	simm.s32 $0x0;
	[bflag:$0x0] =	sbarrier.arrive $0xFFFF  }
0x26: {  	[spmem:s2] =	stream.indirect.scatter.add.f32 [tilespmem:s14], [sflag:$0x1], $0x10, s20, s18, $0xb8;
	[tilespmem:$0xA800] =	vst v63  }
0x27: {  	_ =	swait.ge [sflag:s12], $0x800  }
0x28: {  	[sflag:s12] =	ssyncset.done $0x0  }
0x29: {  	s31 =	simm.s32 $0x2800;
	[sflag:s12] =	ssyncadd.s32 $0xFFFFF800  }
0x2a: {  	[spmem:s3] =	stream.indirect.scatter.add.f32 [tilespmem:s14], [sflag:$0x1], $0x10, s31, s18, $0xb8;
	[tilespmem:$0xA800] =	vst v63  }
0x2b: {  	_ =	swait.ge [sflag:s12], $0x800  }
0x2c: {  	s21 =	simm.s32 $0x400;
	s20 =	simm.s32 $0x200;
	[sflag:s12] =	ssyncset.done $0x0  }
.LBB2_2:
0x2d: {  	s22 =	sshra.s32 s20, $0x2  }
0x2e: {  	[sflag:s12] =	ssyncadd.s32 $0xFFFFF800;
	s20 =	smov.u32 s21;
	s23 =	sadd.s32 $0x200, s21  }
0x2f: {  	[spmem:s2] =	stream.indirect.scatter.add.f32 [tilespmem:s14], [sflag:$0x1], $0x10, s22, s18, $0xb8;
	[tilespmem:$0xA800] =	vst v63  }
0x30: {  	p0 =	sne.s32 s21, $0x9E00;
	_ =	swait.ge [sflag:s12], $0x800  }
.Ltmp0:
0x31: {  	[sflag:s12] =	ssyncset.done $0x0;
	(pc) =	sbr.rel @p0 .LBB2_2-.Ltmp0, $4  }
0x32: {  	s21 =	sadd.s32 $0x2800, s22;
	[sflag:s12] =	ssyncadd.s32 $0xFFFFF800  }
0x33: {  	[spmem:s3] =	stream.indirect.scatter.add.f32 [tilespmem:s14], [sflag:$0x1], $0x10, s21, s18, $0xb8;
	[tilespmem:$0xA800] =	vst v63  }
0x34: {  	_ =	swait.ge [sflag:s12], $0x800  }
0x35: {  	s21 =	smov.u32 s23;
	[sflag:s12] =	ssyncset.done $0x0  }
0x36: {  	s20 =	sshra.s32 s20, $0x2;
	[sflag:s12] =	ssyncadd.s32 $0xFFFFF800  }
0x37: {  	[spmem:s2] =	stream.indirect.scatter.add.f32 [tilespmem:s14], [sflag:$0x1], $0x10, s20, s18, $0xb8;
	[tilespmem:$0xA800] =	vst v63  }
0x38: {  	_ =	swait.ge [sflag:s12], $0x800  }
0x39: {  	[sflag:s12] =	ssyncset.done $0x0  }
0x3a: {  	s20 =	sadd.s32 $0x2800, s20;
	[sflag:s12] =	ssyncadd.s32 $0xFFFFF800  }
0x3b: {  	[spmem:s3] =	stream.indirect.scatter.add.f32 [tilespmem:s14], [sflag:$0x1], $0x10, s20, s18, $0xb8;
	[tilespmem:$0xA800] =	vst v63  }
0x3c: {  	_ =	swait.ge [sflag:s12], $0x800  }
0x3d: {  	[sflag:s12] =	ssyncset.done $0x0  }
0x3e: {  	[sflag:s12] =	ssyncadd.s32 $0xFFFFF800  }
0x3f: {  	[bflag:$0x0] =	sbarrier.arrive $0xFFFF  }
0x40: {  	[hbm:s9], [sflag:s15] =	dma.local [spmem:s16], $0x500  }
0x41: {  	s19 =	sadd.s32 $0x1, s19;
	_ =	swait.ge [sflag:s12], $0x500  }
0x42: {  	p0 =	sne.s32 s19, s11;
	[sflag:s12] =	ssyncset.done $0x0  }
.Ltmp1:
0x43: {  	[sflag:s12] =	ssyncadd.s32 $0xFFFFFB00;
	(pc) =	sbr.rel @p0 .LBB2_1-.Ltmp1, $4  }
0x44: {  	[hbm:s10], [sflag:s15] =	dma.local [spmem:s17], $0x500  }
0x45: {  	_ =	swait.ge [sflag:s12], $0x500  }
0x46: {  	[sflag:s12] =	ssyncset.done $0x0  }
0x47: {  	[sflag:s12] =	ssyncadd.s32 $0xFFFFFB00  }
0x48: {  	_ =	sfence.sel $0x180000  }
0x49: {  	[bflag:$0x0] =	sbarrier.arrive $0xFFFF  }
0x4a: {  	p0 =	sne.s32 s0, $0x0;
	_ =	strace $0x90000047  }
0x4b: {  	s0 =	sadd.s32 @!p0 $0x100000, s1;
	[bflag:$0x2] =	sbarrier.arrive $0xFFFF  }
0x4c: {  	[sflag:s0] =	ssyncadd.tile.s32 @!p0 $0x1;
	_ =	shalt  }
.Lfunc_end2:
_tile_overlayer_lowered:
.L_overlay_start_2:
0x4d: {  	(tag) =	ssettag $0x2  }
0x4e: {  	s0 =	rddreg [dreg:$0x0];
	s2 =	stileid.u32  }
0x4f: {  	s1 =	rddreg [dreg:$0x1];
	p0 =	sne.s32 s2, $0x0  }
0x50: {  	s3 =	rddreg [dreg:$0x2];
	[bflag:$0x3] =	sbarrier.arrive $0xFFFF;
	s2 =	simm.s32 @!p0 $0x1C01  }
0x51: {  	[timem:s3], [sflag:s2] =	dma.local @!p0 [hbm:s0], s1  }
0x52: {  	s0 =	simm.s32 @!p0 $0x1  }
0x53: {  	_ =	swait.ge @!p0 [sflag:s0], s1  }
0x54: {  	s1 =	ssub.s32 @!p0 $0x0, s1;
	[sflag:s0] =	ssyncset.done @!p0 $0x0  }
0x55: {  	[sflag:s0] =	ssyncadd.s32 @!p0 s1  }
0x56: {  	[bflag:$0x3] =	sbarrier.arrive $0xFFFF  }
0x57: {  	_ =	shalt  }

// kernel: kernel.13.cloned.1.call-start
scs
__scs_entry_jumppad:
0x0: {  	(pc) =	sbr.rel $0x88, $3  }
0x1: {  	(tag) =	ssettag $0x0;
	lr =	simm.s32 $0x1  }
0x2: {  	[smem:$0x3F9B] =	sst lr;
	_ =	strace $0xD0000000  }
0x3: {  	_ = 	snop  }
0x4: {  	_ = 	snop  }
0x5: {  	_ = 	snop  }
0x6: {  	_ = 	snop  }
0x7: {  	_ = 	snop  }
__scs_overlays_trampoline_lowered:
0x8: {  	[smem:$0x3FAA] =	sst s0  }
0x9: {  	[smem:$0x3FAB] =	sst s1  }
0xa: {  	[smem:$0x3FAC] =	sst s2  }
0xb: {  	[smem:$0x3FAD] =	sst s3  }
0xc: {  	[smem:$0x3FAE] =	sst s4  }
0xd: {  	[smem:$0x3FAF] =	sst s5  }
0xe: {  	[smem:$0x3FB0] =	sst s6  }
0xf: {  	[smem:$0x3FB1] =	sst s7  }
0x10: {  	[smem:$0x3FB2] =	sst s8  }
0x11: {  	[smem:$0x3FB3] =	sst s9;
	s0 =	simm.s32 @!p0 $0x0  }
0x12: {  	s1 =	sld [smem:$0x3F99];
	s0 =	simm.s32 @p0 $0x1  }
0x13: {  	[smem:$0x3FB4] =	sst s0;
	s0 =	simm.s32 @!p1 $0x0  }
0x14: {  	s2 =	sld [smem:$0x3F98];
	s0 =	simm.s32 @p1 $0x1  }
0x15: {  	[smem:$0x3FB5] =	sst s0;
	s0 =	simm.s32 @!p2 $0x0  }
0x16: {  	s3 =	sld [smem:$0x3FDB];
	s0 =	simm.s32 @p2 $0x1  }
0x17: {  	s4 =	simm.s32 $0x1BF5;
	[smem:$0x3FB7] =	sst s0  }
0x18: {  	s0 =	sld [smem:$0x3F9A];
	_ =	swait.ge [sflag:s4], $0x0  }
0x19: {  	s7 =	sld [smem:$0x3F9B]  }
0x1a: {  	s8 =	sadd.s32 $0xFFFFE003, lr  }
0x1b: {  	s9 =	sadd.s32 $0xFFFFFEF7, lr;
	s5 =	simm.s32 $0xFFFFFFFF;
	p2 =	slt.u32 s8, $0xFFFFF086  }
0x1c: {  	p1 =	slt.u32 s9, $0xF7A;
	s5 =	simm.s32 @!p2 $0x0  }
0x1d: {  	s5 =	simm.s32 @p1 $0x1;
	p0 =	seq.s32 s7, s2  }
0x1e: {  	s7 =	smul.u32 @!p0 $0xF7A, s2;
	p2 =	seq.s32 @!p0 s5, $0x0  }
0x1f: {  	s9 =	smul.u32 $0xF7A, s1;
	s8 =	simm.s32 @!p0 $0x1BF5;
	p2 =	por !p2, p0  }
0x20: {  	[sflag:s8] =	ssyncset.s32 @!p0 $0xFFFFF086;
	s6 =	sadd.s32 @!p0 s3, s7;
	s7 =	simm.s32 @!p0 $0x108  }
0x21: {  	s3 =	sadd.s32 s3, s9;
	s6 =	sadd.s32 @!p0 $0x88, s6;
	s7 =	simm.s32 @p2 $0x1082  }
0x22: {  	[simem:s7], [sflag:s8] =	dma.local @!p0 [hbm:s6], $0xF7A  }
0x23: {  	s9 =	sor.u32 $0xD0000000, s2;
	s6 =	simm.s32 $0x108;
	_ =	swait.ge @!p0 [sflag:s8], $0x0  }
0x24: {  	s3 =	sadd.s32 $0x88, s3;
	s6 =	simm.s32 @!p1 $0x1082;
	[sflag:s4] =	ssyncset.s32 $0xFFFFF086  }
0x25: {  	[simem:s6], [sflag:s4] =	dma.local [hbm:s3], $0xF7A  }
0x26: {  	[smem:$0x3F9B] =	sst s1;
	(tag) =	ssettag s2;
	_ =	strace s9  }
0x27: {  	s1 =	sld [smem:$0x3FAB]  }
0x28: {  	s2 =	sld [smem:$0x3FAC]  }
0x29: {  	s4 =	sld [smem:$0x3FAE]  }
0x2a: {  	p0 =	seq.s32 s5, $0x0;
	s5 =	sld [smem:$0x3FAF]  }
0x2b: {  	s6 =	sld [smem:$0x3FB0]  }
0x2c: {  	s7 =	sld [smem:$0x3FB1]  }
0x2d: {  	s3 =	simm.s32 $0x108;
	s8 =	sld [smem:$0x3FB2]  }
0x2e: {  	s3 =	simm.s32 @!p0 $0x1082;
	s9 =	sld [smem:$0x3FB3]  }
0x2f: {  	lr =	sadd.s32 s0, s3;
	s0 =	sld [smem:$0x3FAA]  }
0x30: {  	s3 =	sld [smem:$0x3FAD]  }
0x31: {  	[smem:$0x3FB6] =	sst s10  }
0x32: {  	s10 =	sld [smem:$0x3FB4];
	_ =	sdelay $0x3  }
0x33: {  	p0 =	seq.s32 s10, $0x1;
	s10 =	sld [smem:$0x3FB6];
	_ =	sdelay $0x3  }
0x34: {  	[smem:$0x3FB6] =	sst s10  }
0x35: {  	s10 =	sld [smem:$0x3FB5];
	_ =	sdelay $0x3  }
0x36: {  	p1 =	seq.s32 s10, $0x1;
	s10 =	sld [smem:$0x3FB6];
	_ =	sdelay $0x3  }
0x37: {  	[smem:$0x3FB6] =	sst s10  }
0x38: {  	s10 =	sld [smem:$0x3FB7]  }
0x39: {  	_ = 	snop;
	(pc) =	sbr.ind lr, $3  }
0x3a: {  	_ = 	snop  }
0x3b: {  	_ = 	snop  }
0x3c: {  	p2 =	seq.s32 s10, $0x1;
	s10 =	sld [smem:$0x3FB6]  }
0x3d: {  	_ =	shalt  }
0x3e: {  	_ =	shalt  }
0x3f: {  	_ =	shalt  }
0x40: {  	_ =	shalt  }
0x41: {  	_ =	shalt  }
0x42: {  	_ =	shalt  }
0x43: {  	_ =	shalt  }
0x44: {  	_ =	shalt  }
0x45: {  	_ =	shalt  }
0x46: {  	_ =	shalt  }
0x47: {  	_ =	shalt  }
0x48: {  	_ =	shalt  }
0x49: {  	_ =	shalt  }
0x4a: {  	_ =	shalt  }
0x4b: {  	_ =	shalt  }
0x4c: {  	_ =	shalt  }
0x4d: {  	_ =	shalt  }
0x4e: {  	_ =	shalt  }
0x4f: {  	_ =	shalt  }
0x50: {  	_ =	shalt  }
0x51: {  	_ =	shalt  }
0x52: {  	_ =	shalt  }
0x53: {  	_ =	shalt  }
0x54: {  	_ =	shalt  }
0x55: {  	_ =	shalt  }
0x56: {  	_ =	shalt  }
0x57: {  	_ =	shalt  }
0x58: {  	_ =	shalt  }
0x59: {  	_ =	shalt  }
0x5a: {  	_ =	shalt  }
0x5b: {  	_ =	shalt  }
0x5c: {  	_ =	shalt  }
0x5d: {  	_ =	shalt  }
0x5e: {  	_ =	shalt  }
0x5f: {  	_ =	shalt  }
0x60: {  	_ =	shalt  }
0x61: {  	_ =	shalt  }
0x62: {  	_ =	shalt  }
0x63: {  	_ =	shalt  }
0x64: {  	_ =	shalt  }
0x65: {  	_ =	shalt  }
0x66: {  	_ =	shalt  }
0x67: {  	_ =	shalt  }
0x68: {  	_ =	shalt  }
0x69: {  	_ =	shalt  }
0x6a: {  	_ =	shalt  }
0x6b: {  	_ =	shalt  }
0x6c: {  	_ =	shalt  }
0x6d: {  	_ =	shalt  }
0x6e: {  	_ =	shalt  }
0x6f: {  	_ =	shalt  }
0x70: {  	_ =	shalt  }
0x71: {  	_ =	shalt  }
0x72: {  	_ =	shalt  }
0x73: {  	_ =	shalt  }
0x74: {  	_ =	shalt  }
0x75: {  	_ =	shalt  }
0x76: {  	_ =	shalt  }
0x77: {  	_ =	shalt  }
0x78: {  	_ =	shalt  }
0x79: {  	_ =	shalt  }
0x7a: {  	_ =	shalt  }
0x7b: {  	_ =	shalt  }
0x7c: {  	_ =	shalt  }
0x7d: {  	_ =	shalt  }
0x7e: {  	_ =	shalt  }
0x7f: {  	_ =	shalt  }
0x80: {  	_ =	shalt  }
0x81: {  	_ =	shalt  }
0x82: {  	_ =	shalt  }
0x83: {  	_ =	shalt  }
0x84: {  	_ =	shalt  }
0x85: {  	_ =	shalt  }
0x86: {  	_ =	shalt  }
0x87: {  	_ =	shalt  }
.Lfunc_end0:
.L_simem_size_0:
called_computation.1_lowered:
.L_overlay_start_0:
0x88: {  	s2 =	sld [smem:$0x3FD9]  }
0x89: {  	s3 =	sld [smem:$0x3FFE];
	_ =	sdelay $0x1  }
0x8a: {  	s1 =	srdreg.scid  }
0x8b: {  	s0 =	sand.u32 $0x1, s1  }
0x8c: {  	s17 =	sshll.u32 s0, $0xA;
	s2 =	sadd.s32 s3, s2  }
0x8d: {  	s2 =	sadd.s32 s2, s17  }
0x8e: {  	[smem:$0x3FC2] =	sst s2  }
0x8f: {  	_ = 	snop  }
0x90: {  	s18 =	sld [smem:$0x3FD0];
	(tm) =	ssettm $0x1  }
0x91: {  	s19 =	sld [smem:$0x3FFB];
	_ =	sdelay $0x3  }
0x92: {  	_ =	strace s19  }
0x93: {  	s2 =	sld [smem:$0x3FFC];
	_ =	sdelay $0x3  }
0x94: {  	_ =	strace s2  }
0x95: {  	s2 =	sld [smem:$0x3FFD];
	_ =	sdelay $0x3  }
0x96: {  	_ =	strace s2  }
0x97: {  	_ =	strace $0x8FFFFFFF  }
0x98: {  	s20 =	sld [smem:$0x3FDB];
	_ =	sdelay $0x1  }
0x99: {  	s4 =	simm.s32 $_scs_section_size  }
0x9a: {  	s5 =	simm.s32 $_size__tile_overlayer_lowered;
	s6 =	simm.s32 $_tile_overlayer_lowered  }
0x9b: {  	s7 =	simm.s32 $0x1BFF;
	s21 =	sshll.u32 s6, $0x1;
	s4 =	sadd.s32 s4, s20  }
0x9c: {  	s22 =	simm.s32 $0x0;
	s5 =	sshll.u32 s5, $0x1;
	s6 =	sadd.s32 s21, s4  }
0x9d: {  	[timem:s22], [sflag:s7] =	dma.local [hbm:s6], s5  }
0x9e: {  	_ =	swait.ge [sflag:s7], s5  }
0x9f: {  	s5 =	ssub.s32 $0x0, s5;
	[sflag:s7] =	ssyncset.done $0x0  }
0xa0: {  	[sflag:s7] =	ssyncadd.s32 s5;
	_ =	sdelay $0x1  }
0xa1: {  	s23 =	simm.s32 $0x1B8B  }
0xa2: {  	_ =	swait.ge [sflag:s23], $0x1  }
0xa3: {  	[sflag:s23] =	ssyncset.done $0x0  }
0xa4: {  	[sflag:s23] =	ssyncadd.s32 $0xFFFFFFFF  }
0xa5: {  	s5 =	sld [smem:$0x0]  }
0xa6: {  	s6 =	sand.u32 $0xFFFFFFFE, s1  }
0xa7: {  	p0 =	sne.s32 s1, s6  }
0xa8: {  	s6 =	sshll.u32 @p0 s6, $0xE  }
0xa9: {  	s6 =	sadd.s32 @p0 $0x11B8D, s6;
	s7 =	sshll.u32 @p0 s5, $0x11  }
0xaa: {  	s6 =	sor.u32 @p0 s7, s6  }
0xab: {  	[sflag:s6] =	ssyncadd.remote.s32 @p0 $0x1;
	_ =	sdelay $0x1  }
0xac: {  	s6 =	simm.s32 @p0 $0x1B8D  }
0xad: {  	_ =	swait.eq @p0 [sflag:s6], $0x1  }
0xae: {  	[sflag:s6] =	ssyncadd.s32 @p0 $0xFFFFFFFF  }
0xaf: {  	s7 =	sshll.u32 @!p0 s1, $0xE  }
0xb0: {  	s7 =	sor.u32 @!p0 $0x4000, s7;
	s6 =	simm.s32 @!p0 $0x1B8D  }
0xb1: {  	s5 =	sshll.u32 @!p0 s5, $0x11;
	s7 =	sadd.s32 @!p0 $0x11B8D, s7;
	_ =	swait.eq @!p0 [sflag:s6], $0x1  }
0xb2: {  	s5 =	sor.u32 @!p0 s5, s7;
	[sflag:s6] =	ssyncadd.s32 @!p0 $0xFFFFFFFF  }
0xb3: {  	s25 =	simm.s32 $0x1B8E;
	s24 =	sld [smem:$0x3FFE];
	[sflag:s5] =	ssyncadd.remote.s32 @!p0 $0x1  }
0xb4: {  	s26 =	simm.s32 $execute0_lowered;
	[smem:$0x3FD2] =	sst s25  }
0xb5: {  	s6 =	sshll.u32 s26, $0x1;
	_ =	strace $0x8000004C;
	[dreg:$0x1] =	wrdreg $0xFFFFFFFF  }
0xb6: {  	s28 =	simm.s32 $_size_execute0_lowered;
	s4 =	sadd.s32 s4, s6;
	[dreg:$0x0] =	wrdreg $0x0  }
0xb7: {  	s6 =	sshll.u32 s28, $0x1;
	[dreg:$0x2] =	wrdreg s4  }
0xb8: {  	[dreg:$0x3] =	wrdreg s6  }
0xb9: {  	[dreg:$0x4] =	wrdreg $0xC0  }
0xba: {  	_ =	task [dreg:s22], $0x5FFFF  }
0xbb: {  	[dreg:$0x1] =	wrdreg $0xFFFFFFFF  }
0xbc: {  	[dreg:$0x0] =	wrdreg $0x60  }
0xbd: {  	[dreg:$0x2] =	wrdreg s24  }
0xbe: {  	[dreg:$0x3] =	wrdreg s18  }
0xbf: {  	[dreg:$0x4] =	wrdreg $0x130000  }
0xc0: {  	[dreg:$0x5] =	wrdreg $0x90000  }
0xc1: {  	[dreg:$0x6] =	wrdreg $0x9  }
0xc2: {  	_ =	task.clear_ibuf [dreg:s22], $0x7FFFF;
	_ =	strace $0x9000004C  }
0xc3: {  	s29 =	simm.s32 $0x9;
	_ =	strace $0x8000004E  }
0xc4: {  	_ =	swait.ge [sflag:s29], $0x1  }
0xc5: {  	[sflag:s29] =	ssyncadd.s32 $0xFFFFFFFF  }
0xc6: {  	_ =	strace $0x9000004E  }
0xc7: {  	_ =	sfence  }
0xc8: {  	s30 =	sld [smem:$0x0];
	_ =	sdelay $0x2  }
0xc9: {  	s31 =	sshll.u32 s1, $0xD;
	s1 =	sshrl.u32 s1, $0x2  }
0xca: {  	s4 =	sand.u32 $0x4000, s31;
	s1 =	sadd.s32 s1, s30  }
0xcb: {  	s0 =	sor.u32 s4, s0;
	s1 =	sshll.u32 s1, $0x11  }
0xcc: {  	s0 =	sor.u32 s1, s0  }
0xcd: {  	s0 =	sadd.s32 $0x8F2B, s0  }
0xce: {  	[sflag:s0] =	ssyncadd.remote.s32 $0x1  }
0xcf: {  	_ =	sfence.sel $0xFFFF  }
0xd0: {  	[dreg:$0x0] =	wrdreg $0xFFFFFFFF;
	(pc) =	sbr.abs _section_cstart, $3  }
0xd1: {  	[dreg:$0x1] =	wrdreg $0xFFFFFFFF  }
0xd2: {  	_ =	task.clear_ibuf [dreg:s22], $0x2FFFF;
	_ =	strace $0x9FFFFFFF  }
0xd3: {  	(tm) =	ssettm $0x7FFFFFFF  }
tec
execute0_lowered:
.L_overlay_start_1:
0x0: {  	(tag) =	ssettag $0x1  }
0x1: {  	s6 =	rddreg [dreg:$0x0]  }
0x2: {  	s0 =	stileid.u32;
	s7 =	rddreg [dreg:$0x1]  }
0x3: {  	s1 =	srdreg.scid;
	s2 =	rddreg [dreg:$0x2]  }
0x4: {  	s3 =	rddreg [dreg:$0x3];
	s4 =	simm.s32 $0x0;
	s15 =	simm.s32 $0x5000  }
0x5: {  	s16 =	simm.s32 $0x1;
	s17 =	simm.s32 $0x80;
	s18 =	simm.s32 $0x4F80  }
0x6: {  	s19 =	simm.s32 $0x7000;
	s20 =	simm.s32 $0x0;
	s8 =	smul.u32 $0xA000, s0  }
0x7: {  	s5 =	sand.u32 $0x1, s1;
	s26 =	sshll.u32 s0, $0x1;
	s10 =	smul.u32 $0x1400, s0  }
0x8: {  	[smem:$0x7FF] =	sst s4;
	s31 =	sshll.u32 s0, $0x6;
	s1 =	sor.u32 s5, s26  }
0x9: {  	s12 =	smul.u32 $0x14000, s5;
	s13 =	ssub.s32 $0x2, s5;
	s5 =	sadd.s32 $0xC200, s6  }
0xa: {  	s9 =	smul.u32 $0x500, s1;
	s1 =	rddreg [dreg:$0x4];
	s11 =	sshrl.u32 s8, $0x3  }
0xb: {  	_ =	strace $0x8000004D;
	s28 =	sshrl.u32 s13, $0x1;
	s29 =	sadd.s32 s8, s2  }
0xc: {  	s30 =	sadd.s32 s8, s3;
	s11 =	sadd.s32 s11, s6;
	s10 =	sadd.s32 s10, s12  }
0xd: {  	s12 =	ssub.s32 s13, s28;
	s13 =	sshrl.u32 s29, $0x3;
	s14 =	sadd.s32 s9, s6  }
0xe: {  	s10 =	sadd.s32 s10, s6;
	s7 =	sadd.s32 s7, s9;
	s8 =	sadd.s32 $0xACA00, s11  }
0xf: {  	s11 =	simm.s32 $0x2;
	s6 =	sadd.s32 $0x2200, s14;
	s9 =	sadd.s32 $0xC0A00, s10  }
0x10: {  	s10 =	smax.u32 s12, $0x1;
	s12 =	sor.u32 $0x1C02, s31;
	s14 =	sshrl.u32 s30, $0x3  }
.LBB2_1:
0x11: {  	[tilespmem:s4], [sflag:$0x2] =	stream.linear.gather [hbm4b:s6+s4], $0x2800, $0x38;
	[tilespmem:$0x1D000] =	vst v63  }
0x12: {  	_ =	swait.ge [sflag:s11], $0x2800  }
0x13: {  	[sflag:s11] =	ssyncset.done $0x0  }
0x14: {  	s21 =	simm.s32 $0x2800;
	[sflag:s11] =	ssyncadd.s32 $0xFFFFD800  }
0x15: {  	[tilespmem:s21], [sflag:$0x2] =	stream.linear.gather [hbm4b:s7+s4], $0x2800, $0x38;
	[tilespmem:$0x1D000] =	vst v63  }
0x16: {  	_ =	swait.ge [sflag:s11], $0x2800  }
0x17: {  	[sflag:s11] =	ssyncset.done $0x0  }
0x18: {  	[sflag:s11] =	ssyncadd.s32 $0xFFFFD800  }
0x19: {  	[spmem:s13], [sflag:s12] =	dma.local [hbm:s5], $0x1400  }
0x1a: {  	_ =	swait.ge [sflag:s11], $0x1400  }
0x1b: {  	[sflag:s11] =	ssyncset.done $0x0  }
0x1c: {  	[sflag:s11] =	ssyncadd.s32 $0xFFFFEC00  }
0x1d: {  	[spmem:s14], [sflag:s12] =	dma.local [hbm:s8], $0x1400  }
0x1e: {  	_ =	swait.ge [sflag:s11], $0x1400  }
0x1f: {  	[sflag:s11] =	ssyncset.done $0x0  }
0x20: {  	[sflag:s11] =	ssyncadd.s32 $0xFFFFEC00  }
0x21: {  	[bflag:$0x0] =	sbarrier.arrive $0xFFFF  }
0x22: {  	[tilespmem:s15], [sflag:$0x1] =	stream.indirect.gather [spmem:s3], $0x40, s4, s17, $0xb8;
	[tilespmem:$0x1D000] =	vst v63  }
0x23: {  	s22 =	simm.s32 $0x2000;
	_ =	swait.ge [sflag:s16], $0x2000  }
0x24: {  	s23 =	sand.u32 $0x2000, s22;
	[sflag:s16] =	ssyncset.done $0x0  }
0x25: {  	s24 =	sand.u32 $0x2000, s4;
	s23 =	sor.u32 $0x5000, s23;
	[sflag:s16] =	ssyncadd.s32 $0xFFFFE000  }
0x26: {  	[tilespmem:s23], [sflag:$0x1] =	stream.indirect.gather [spmem:s3], $0x40, s17, s17, $0xb8;
	[tilespmem:$0x1D000] =	vst v63  }
0x27: {  	s31 =	sor.u32 $0x5000, s24  }
0x28: {  	[spmem:s2] =	stream.indirect.scatter.add.f32 [tilespmem:s31], [sflag:$0x2], $0x40, s21, s17, $0xb8;
	[tilespmem:$0x1D000] =	vst v63  }
0x29: {  	_ =	swait.ge [sflag:s11], $0x2000  }
0x2a: {  	[sflag:s11] =	ssyncset.done $0x0  }
0x2b: {  	s23 =	simm.s32 $0x80;
	[sflag:s11] =	ssyncadd.s32 $0xFFFFE000  }
.LBB2_2:
0x2c: {  	p0 =	sne.s32 s22, $0x9C000  }
0x2d: {  	_ =	swait.ge [sflag:s16], $0x2000;
	s24 =	smov.u32 s22;
	s22 =	sadd.s32 $0x2000, s22  }
0x2e: {  	s23 =	sadd.s32 $0x80, s23;
	s25 =	sand.u32 $0x2000, s22;
	[sflag:s16] =	ssyncset.done $0x0  }
0x2f: {  	s24 =	sand.u32 $0x2000, s24;
	s25 =	sor.u32 $0x5000, s25;
	[sflag:s16] =	ssyncadd.s32 $0xFFFFE000  }
0x30: {  	[tilespmem:s25], [sflag:$0x1] =	stream.indirect.gather [spmem:s3], $0x40, s23, s17, $0xb8;
	[tilespmem:$0x1D000] =	vst v63  }
.Ltmp0:
0x31: {  	s21 =	sadd.s32 $0x80, s21;
	s24 =	sor.u32 $0x5000, s24;
	(pc) =	sbr.rel @p0 .LBB2_2-.Ltmp0, $4  }
0x32: {  	[spmem:s2] =	stream.indirect.scatter.add.f32 [tilespmem:s24], [sflag:$0x2], $0x40, s21, s17, $0xb8;
	[tilespmem:$0x1D000] =	vst v63  }
0x33: {  	_ =	swait.ge [sflag:s11], $0x2000  }
0x34: {  	[sflag:s11] =	ssyncset.done $0x0  }
0x35: {  	[sflag:s11] =	ssyncadd.s32 $0xFFFFE000  }
0x36: {  	_ =	swait.ge [sflag:s16], $0x2000  }
0x37: {  	[sflag:s16] =	ssyncset.done $0x0  }
0x38: {  	[sflag:s16] =	ssyncadd.s32 $0xFFFFE000  }
0x39: {  	[spmem:s2] =	stream.indirect.scatter.add.f32 [tilespmem:s19], [sflag:$0x2], $0x40, s18, s17, $0xb8;
	[tilespmem:$0x1D000] =	vst v63  }
0x3a: {  	_ =	swait.ge [sflag:s11], $0x2000  }
0x3b: {  	s20 =	sadd.s32 $0x1, s20;
	[sflag:s11] =	ssyncset.done $0x0  }
0x3c: {  	p0 =	sne.s32 s20, s10;
	[sflag:s11] =	ssyncadd.s32 $0xFFFFE000  }
.Ltmp1:
0x3d: {  	[bflag:$0x0] =	sbarrier.arrive $0xFFFF;
	(pc) =	sbr.rel @p0 .LBB2_1-.Ltmp1, $4  }
0x3e: {  	[hbm:s9], [sflag:s12] =	dma.local [spmem:s13], $0x1400  }
0x3f: {  	_ =	swait.ge [sflag:s11], $0x1400  }
0x40: {  	[sflag:s11] =	ssyncset.done $0x0  }
0x41: {  	[sflag:s11] =	ssyncadd.s32 $0xFFFFEC00  }
0x42: {  	_ =	sfence.sel $0x180000  }
0x43: {  	[bflag:$0x0] =	sbarrier.arrive $0xFFFF  }
0x44: {  	p0 =	sne.s32 s0, $0x0;
	_ =	strace $0x9000004D  }
0x45: {  	s0 =	sadd.s32 @!p0 $0x100000, s1;
	[bflag:$0x2] =	sbarrier.arrive $0xFFFF  }
0x46: {  	[sflag:s0] =	ssyncadd.tile.s32 @!p0 $0x1;
	_ =	shalt  }
.Lfunc_end2:
_tile_overlayer_lowered:
.L_overlay_start_2:
0x47: {  	(tag) =	ssettag $0x2  }
0x48: {  	s0 =	rddreg [dreg:$0x0];
	s2 =	stileid.u32  }
0x49: {  	s1 =	rddreg [dreg:$0x1];
	p0 =	sne.s32 s2, $0x0  }
0x4a: {  	s3 =	rddreg [dreg:$0x2];
	[bflag:$0x3] =	sbarrier.arrive $0xFFFF;
	s2 =	simm.s32 @!p0 $0x1C02  }
0x4b: {  	[timem:s3], [sflag:s2] =	dma.local @!p0 [hbm:s0], s1  }
0x4c: {  	s0 =	simm.s32 @!p0 $0x2  }
0x4d: {  	_ =	swait.ge @!p0 [sflag:s0], s1  }
0x4e: {  	s1 =	ssub.s32 @!p0 $0x0, s1;
	[sflag:s0] =	ssyncset.done @!p0 $0x0  }
0x4f: {  	[sflag:s0] =	ssyncadd.s32 @!p0 s1  }
0x50: {  	[bflag:$0x3] =	sbarrier.arrive $0xFFFF  }
0x51: {  	_ =	shalt  }

// kernel: kernel.16.cloned.1.call-start
scs
__scs_entry_jumppad:
0x0: {  	(pc) =	sbr.rel $0x88, $3  }
0x1: {  	(tag) =	ssettag $0x0;
	lr =	simm.s32 $0x1  }
0x2: {  	[smem:$0x3F9B] =	sst lr;
	_ =	strace $0xD0000000  }
0x3: {  	_ = 	snop  }
0x4: {  	_ = 	snop  }
0x5: {  	_ = 	snop  }
0x6: {  	_ = 	snop  }
0x7: {  	_ = 	snop  }
__scs_overlays_trampoline_lowered:
0x8: {  	[smem:$0x3FAA] =	sst s0  }
0x9: {  	[smem:$0x3FAB] =	sst s1  }
0xa: {  	[smem:$0x3FAC] =	sst s2  }
0xb: {  	[smem:$0x3FAD] =	sst s3  }
0xc: {  	[smem:$0x3FAE] =	sst s4  }
0xd: {  	[smem:$0x3FAF] =	sst s5  }
0xe: {  	[smem:$0x3FB0] =	sst s6  }
0xf: {  	[smem:$0x3FB1] =	sst s7  }
0x10: {  	[smem:$0x3FB2] =	sst s8  }
0x11: {  	[smem:$0x3FB3] =	sst s9;
	s0 =	simm.s32 @!p0 $0x0  }
0x12: {  	s1 =	sld [smem:$0x3F99];
	s0 =	simm.s32 @p0 $0x1  }
0x13: {  	[smem:$0x3FB4] =	sst s0;
	s0 =	simm.s32 @!p1 $0x0  }
0x14: {  	s2 =	sld [smem:$0x3F98];
	s0 =	simm.s32 @p1 $0x1  }
0x15: {  	[smem:$0x3FB5] =	sst s0;
	s0 =	simm.s32 @!p2 $0x0  }
0x16: {  	s3 =	sld [smem:$0x3FDB];
	s0 =	simm.s32 @p2 $0x1  }
0x17: {  	s4 =	simm.s32 $0x1BF5;
	[smem:$0x3FB7] =	sst s0  }
0x18: {  	s0 =	sld [smem:$0x3F9A];
	_ =	swait.ge [sflag:s4], $0x0  }
0x19: {  	s7 =	sld [smem:$0x3F9B]  }
0x1a: {  	s8 =	sadd.s32 $0xFFFFE003, lr  }
0x1b: {  	s9 =	sadd.s32 $0xFFFFFEF7, lr;
	s5 =	simm.s32 $0xFFFFFFFF;
	p2 =	slt.u32 s8, $0xFFFFF086  }
0x1c: {  	p1 =	slt.u32 s9, $0xF7A;
	s5 =	simm.s32 @!p2 $0x0  }
0x1d: {  	s5 =	simm.s32 @p1 $0x1;
	p0 =	seq.s32 s7, s2  }
0x1e: {  	s7 =	smul.u32 @!p0 $0xF7A, s2;
	p2 =	seq.s32 @!p0 s5, $0x0  }
0x1f: {  	s9 =	smul.u32 $0xF7A, s1;
	s8 =	simm.s32 @!p0 $0x1BF5;
	p2 =	por !p2, p0  }
0x20: {  	[sflag:s8] =	ssyncset.s32 @!p0 $0xFFFFF086;
	s6 =	sadd.s32 @!p0 s3, s7;
	s7 =	simm.s32 @!p0 $0x108  }
0x21: {  	s3 =	sadd.s32 s3, s9;
	s6 =	sadd.s32 @!p0 $0x88, s6;
	s7 =	simm.s32 @p2 $0x1082  }
0x22: {  	[simem:s7], [sflag:s8] =	dma.local @!p0 [hbm:s6], $0xF7A  }
0x23: {  	s9 =	sor.u32 $0xD0000000, s2;
	s6 =	simm.s32 $0x108;
	_ =	swait.ge @!p0 [sflag:s8], $0x0  }
0x24: {  	s3 =	sadd.s32 $0x88, s3;
	s6 =	simm.s32 @!p1 $0x1082;
	[sflag:s4] =	ssyncset.s32 $0xFFFFF086  }
0x25: {  	[simem:s6], [sflag:s4] =	dma.local [hbm:s3], $0xF7A  }
0x26: {  	[smem:$0x3F9B] =	sst s1;
	(tag) =	ssettag s2;
	_ =	strace s9  }
0x27: {  	s1 =	sld [smem:$0x3FAB]  }
0x28: {  	s2 =	sld [smem:$0x3FAC]  }
0x29: {  	s4 =	sld [smem:$0x3FAE]  }
0x2a: {  	p0 =	seq.s32 s5, $0x0;
	s5 =	sld [smem:$0x3FAF]  }
0x2b: {  	s6 =	sld [smem:$0x3FB0]  }
0x2c: {  	s7 =	sld [smem:$0x3FB1]  }
0x2d: {  	s3 =	simm.s32 $0x108;
	s8 =	sld [smem:$0x3FB2]  }
0x2e: {  	s3 =	simm.s32 @!p0 $0x1082;
	s9 =	sld [smem:$0x3FB3]  }
0x2f: {  	lr =	sadd.s32 s0, s3;
	s0 =	sld [smem:$0x3FAA]  }
0x30: {  	s3 =	sld [smem:$0x3FAD]  }
0x31: {  	[smem:$0x3FB6] =	sst s10  }
0x32: {  	s10 =	sld [smem:$0x3FB4];
	_ =	sdelay $0x3  }
0x33: {  	p0 =	seq.s32 s10, $0x1;
	s10 =	sld [smem:$0x3FB6];
	_ =	sdelay $0x3  }
0x34: {  	[smem:$0x3FB6] =	sst s10  }
0x35: {  	s10 =	sld [smem:$0x3FB5];
	_ =	sdelay $0x3  }
0x36: {  	p1 =	seq.s32 s10, $0x1;
	s10 =	sld [smem:$0x3FB6];
	_ =	sdelay $0x3  }
0x37: {  	[smem:$0x3FB6] =	sst s10  }
0x38: {  	s10 =	sld [smem:$0x3FB7]  }
0x39: {  	_ = 	snop;
	(pc) =	sbr.ind lr, $3  }
0x3a: {  	_ = 	snop  }
0x3b: {  	_ = 	snop  }
0x3c: {  	p2 =	seq.s32 s10, $0x1;
	s10 =	sld [smem:$0x3FB6]  }
0x3d: {  	_ =	shalt  }
0x3e: {  	_ =	shalt  }
0x3f: {  	_ =	shalt  }
0x40: {  	_ =	shalt  }
0x41: {  	_ =	shalt  }
0x42: {  	_ =	shalt  }
0x43: {  	_ =	shalt  }
0x44: {  	_ =	shalt  }
0x45: {  	_ =	shalt  }
0x46: {  	_ =	shalt  }
0x47: {  	_ =	shalt  }
0x48: {  	_ =	shalt  }
0x49: {  	_ =	shalt  }
0x4a: {  	_ =	shalt  }
0x4b: {  	_ =	shalt  }
0x4c: {  	_ =	shalt  }
0x4d: {  	_ =	shalt  }
0x4e: {  	_ =	shalt  }
0x4f: {  	_ =	shalt  }
0x50: {  	_ =	shalt  }
0x51: {  	_ =	shalt  }
0x52: {  	_ =	shalt  }
0x53: {  	_ =	shalt  }
0x54: {  	_ =	shalt  }
0x55: {  	_ =	shalt  }
0x56: {  	_ =	shalt  }
0x57: {  	_ =	shalt  }
0x58: {  	_ =	shalt  }
0x59: {  	_ =	shalt  }
0x5a: {  	_ =	shalt  }
0x5b: {  	_ =	shalt  }
0x5c: {  	_ =	shalt  }
0x5d: {  	_ =	shalt  }
0x5e: {  	_ =	shalt  }
0x5f: {  	_ =	shalt  }
0x60: {  	_ =	shalt  }
0x61: {  	_ =	shalt  }
0x62: {  	_ =	shalt  }
0x63: {  	_ =	shalt  }
0x64: {  	_ =	shalt  }
0x65: {  	_ =	shalt  }
0x66: {  	_ =	shalt  }
0x67: {  	_ =	shalt  }
0x68: {  	_ =	shalt  }
0x69: {  	_ =	shalt  }
0x6a: {  	_ =	shalt  }
0x6b: {  	_ =	shalt  }
0x6c: {  	_ =	shalt  }
0x6d: {  	_ =	shalt  }
0x6e: {  	_ =	shalt  }
0x6f: {  	_ =	shalt  }
0x70: {  	_ =	shalt  }
0x71: {  	_ =	shalt  }
0x72: {  	_ =	shalt  }
0x73: {  	_ =	shalt  }
0x74: {  	_ =	shalt  }
0x75: {  	_ =	shalt  }
0x76: {  	_ =	shalt  }
0x77: {  	_ =	shalt  }
0x78: {  	_ =	shalt  }
0x79: {  	_ =	shalt  }
0x7a: {  	_ =	shalt  }
0x7b: {  	_ =	shalt  }
0x7c: {  	_ =	shalt  }
0x7d: {  	_ =	shalt  }
0x7e: {  	_ =	shalt  }
0x7f: {  	_ =	shalt  }
0x80: {  	_ =	shalt  }
0x81: {  	_ =	shalt  }
0x82: {  	_ =	shalt  }
0x83: {  	_ =	shalt  }
0x84: {  	_ =	shalt  }
0x85: {  	_ =	shalt  }
0x86: {  	_ =	shalt  }
0x87: {  	_ =	shalt  }
.Lfunc_end0:
.L_simem_size_0:
called_computation.2_lowered:
.L_overlay_start_0:
0x88: {  	s2 =	sld [smem:$0x3FD9]  }
0x89: {  	s3 =	sld [smem:$0x3FFE];
	_ =	sdelay $0x1  }
0x8a: {  	s1 =	srdreg.scid  }
0x8b: {  	s0 =	sand.u32 $0x1, s1  }
0x8c: {  	s17 =	sshll.u32 s0, $0xA;
	s2 =	sadd.s32 s3, s2  }
0x8d: {  	s2 =	sadd.s32 s2, s17  }
0x8e: {  	[smem:$0x3FC2] =	sst s2  }
0x8f: {  	_ = 	snop  }
0x90: {  	s2 =	sld [smem:$0x3FD0];
	(tm) =	ssettm $0x1  }
0x91: {  	s18 =	sld [smem:$0x3FFB];
	_ =	sdelay $0x3  }
0x92: {  	_ =	strace s18  }
0x93: {  	s3 =	sld [smem:$0x3FFC];
	_ =	sdelay $0x3  }
0x94: {  	_ =	strace s3  }
0x95: {  	s3 =	sld [smem:$0x3FFD];
	_ =	sdelay $0x3  }
0x96: {  	_ =	strace s3  }
0x97: {  	_ =	strace $0x8FFFFFFF  }
0x98: {  	s19 =	sld [smem:$0x3FDB];
	_ =	sdelay $0x1  }
0x99: {  	s4 =	simm.s32 $_scs_section_size  }
0x9a: {  	s5 =	simm.s32 $_size__tile_overlayer_lowered;
	s6 =	simm.s32 $_tile_overlayer_lowered  }
0x9b: {  	s22 =	simm.s32 $0x1BFF;
	s21 =	sshll.u32 s6, $0x1;
	s3 =	sadd.s32 s4, s19  }
0x9c: {  	s7 =	simm.s32 $0x0;
	s20 =	sshll.u32 s5, $0x1;
	s5 =	sadd.s32 s21, s3  }
0x9d: {  	[timem:s7], [sflag:s22] =	dma.local [hbm:s5], s20  }
0x9e: {  	_ =	swait.ge [sflag:s22], s20  }
0x9f: {  	s4 =	ssub.s32 $0x0, s20;
	[sflag:s22] =	ssyncset.done $0x0  }
0xa0: {  	[sflag:s22] =	ssyncadd.s32 s4;
	_ =	sdelay $0x1  }
0xa1: {  	s23 =	simm.s32 $0x1B8B  }
0xa2: {  	_ =	swait.ge [sflag:s23], $0x1  }
0xa3: {  	[sflag:s23] =	ssyncset.done $0x0  }
0xa4: {  	s25 =	simm.s32 $0x1B8E;
	s24 =	sld [smem:$0x3FFE];
	[sflag:s23] =	ssyncadd.s32 $0xFFFFFFFF  }
0xa5: {  	s26 =	simm.s32 $execute0_lowered;
	[smem:$0x3FD2] =	sst s25  }
0xa6: {  	s5 =	sshll.u32 s26, $0x1;
	_ =	strace $0x80000049;
	[dreg:$0x1] =	wrdreg $0xFFFFFFFF  }
0xa7: {  	s28 =	simm.s32 $_size_execute0_lowered;
	s3 =	sadd.s32 s3, s5;
	[dreg:$0x0] =	wrdreg $0x0  }
0xa8: {  	s5 =	sshll.u32 s28, $0x1;
	[dreg:$0x2] =	wrdreg s3  }
0xa9: {  	[dreg:$0x3] =	wrdreg s5  }
0xaa: {  	[dreg:$0x4] =	wrdreg $0xC0  }
0xab: {  	_ =	task [dreg:s7], $0x5FFFF  }
0xac: {  	[dreg:$0x1] =	wrdreg $0xFFFFFFFF  }
0xad: {  	[dreg:$0x0] =	wrdreg $0x60  }
0xae: {  	[dreg:$0x2] =	wrdreg s24  }
0xaf: {  	[dreg:$0x3] =	wrdreg s2  }
0xb0: {  	[dreg:$0x4] =	wrdreg $0x130000  }
0xb1: {  	[dreg:$0x5] =	wrdreg $0x90000  }
0xb2: {  	[dreg:$0x6] =	wrdreg $0xA  }
0xb3: {  	_ =	task.clear_ibuf [dreg:s7], $0x7FFFF;
	_ =	strace $0x90000049  }
0xb4: {  	s29 =	simm.s32 $0xA;
	_ =	strace $0x8000004B  }
0xb5: {  	_ =	swait.ge [sflag:s29], $0x1  }
0xb6: {  	[sflag:s29] =	ssyncadd.s32 $0xFFFFFFFF  }
0xb7: {  	_ =	strace $0x9000004B  }
0xb8: {  	_ =	sfence  }
0xb9: {  	s30 =	sld [smem:$0x0];
	_ =	sdelay $0x2  }
0xba: {  	s31 =	sshll.u32 s1, $0xD;
	s1 =	sshrl.u32 s1, $0x2  }
0xbb: {  	s3 =	sand.u32 $0x4000, s31;
	s1 =	sadd.s32 s1, s30  }
0xbc: {  	s0 =	sor.u32 s3, s0;
	s1 =	sshll.u32 s1, $0x11  }
0xbd: {  	s0 =	sor.u32 s1, s0  }
0xbe: {  	s0 =	sadd.s32 $0x8F2B, s0  }
0xbf: {  	[sflag:s0] =	ssyncadd.remote.s32 $0x1  }
0xc0: {  	_ =	sfence.sel $0xFFFF  }
0xc1: {  	[dreg:$0x0] =	wrdreg $0xFFFFFFFF;
	(pc) =	sbr.abs _section_cstart, $3  }
0xc2: {  	[dreg:$0x1] =	wrdreg $0xFFFFFFFF  }
0xc3: {  	_ =	task.clear_ibuf [dreg:s7], $0x2FFFF;
	_ =	strace $0x9FFFFFFF  }
0xc4: {  	(tm) =	ssettm $0x7FFFFFFF  }
0xc5: {  	_ =	shalt  }
tec
execute0_lowered:
.L_overlay_start_1:
0x0: {  	(tag) =	ssettag $0x1  }
0x1: {  	s6 =	rddreg [dreg:$0x0]  }
0x2: {  	s0 =	stileid.u32;
	s7 =	rddreg [dreg:$0x1]  }
0x3: {  	s1 =	srdreg.scid;
	s2 =	rddreg [dreg:$0x2]  }
0x4: {  	s3 =	rddreg [dreg:$0x3];
	s4 =	simm.s32 $0x0;
	s15 =	simm.s32 $0x5000  }
0x5: {  	s16 =	simm.s32 $0x1;
	s17 =	simm.s32 $0x80;
	s18 =	simm.s32 $0x4F80  }
0x6: {  	s19 =	simm.s32 $0x7000;
	s20 =	simm.s32 $0x0;
	s8 =	smul.u32 $0xA000, s0  }
0x7: {  	s5 =	sand.u32 $0x1, s1;
	s26 =	sshll.u32 s0, $0x1;
	s10 =	smul.u32 $0x1400, s0  }
0x8: {  	[smem:$0x7FF] =	sst s4;
	s31 =	sshll.u32 s0, $0x6;
	s1 =	sor.u32 s5, s26  }
0x9: {  	s12 =	smul.u32 $0x14000, s5;
	s13 =	ssub.s32 $0x2, s5;
	s5 =	sadd.s32 $0xC200, s6  }
0xa: {  	s9 =	smul.u32 $0x500, s1;
	s1 =	rddreg [dreg:$0x4];
	s11 =	sshrl.u32 s8, $0x3  }
0xb: {  	_ =	strace $0x8000004A;
	s28 =	sshrl.u32 s13, $0x1;
	s29 =	sadd.s32 s8, s2  }
0xc: {  	s30 =	sadd.s32 s8, s3;
	s11 =	sadd.s32 s11, s6;
	s10 =	sadd.s32 s10, s12  }
0xd: {  	s12 =	ssub.s32 s13, s28;
	s13 =	sshrl.u32 s29, $0x3;
	s14 =	sadd.s32 s9, s6  }
0xe: {  	s10 =	sadd.s32 s10, s6;
	s7 =	sadd.s32 s7, s9;
	s8 =	sadd.s32 $0x70A00, s11  }
0xf: {  	s11 =	simm.s32 $0x2;
	s6 =	sadd.s32 $0x2200, s14;
	s9 =	sadd.s32 $0x84A00, s10  }
0x10: {  	s10 =	smax.u32 s12, $0x1;
	s12 =	sor.u32 $0x1C02, s31;
	s14 =	sshrl.u32 s30, $0x3  }
.LBB2_1:
0x11: {  	[tilespmem:s4], [sflag:$0x2] =	stream.linear.gather [hbm4b:s6+s4], $0x2800, $0x38;
	[tilespmem:$0x1D000] =	vst v63  }
0x12: {  	_ =	swait.ge [sflag:s11], $0x2800  }
0x13: {  	[sflag:s11] =	ssyncset.done $0x0  }
0x14: {  	s21 =	simm.s32 $0x2800;
	[sflag:s11] =	ssyncadd.s32 $0xFFFFD800  }
0x15: {  	[tilespmem:s21], [sflag:$0x2] =	stream.linear.gather [hbm4b:s7+s4], $0x2800, $0x38;
	[tilespmem:$0x1D000] =	vst v63  }
0x16: {  	_ =	swait.ge [sflag:s11], $0x2800  }
0x17: {  	[sflag:s11] =	ssyncset.done $0x0  }
0x18: {  	[sflag:s11] =	ssyncadd.s32 $0xFFFFD800  }
0x19: {  	[spmem:s13], [sflag:s12] =	dma.local [hbm:s5], $0x1400  }
0x1a: {  	_ =	swait.ge [sflag:s11], $0x1400  }
0x1b: {  	[sflag:s11] =	ssyncset.done $0x0  }
0x1c: {  	[sflag:s11] =	ssyncadd.s32 $0xFFFFEC00  }
0x1d: {  	[spmem:s14], [sflag:s12] =	dma.local [hbm:s8], $0x1400  }
0x1e: {  	_ =	swait.ge [sflag:s11], $0x1400  }
0x1f: {  	[sflag:s11] =	ssyncset.done $0x0  }
0x20: {  	[sflag:s11] =	ssyncadd.s32 $0xFFFFEC00  }
0x21: {  	[bflag:$0x0] =	sbarrier.arrive $0xFFFF  }
0x22: {  	[tilespmem:s15], [sflag:$0x1] =	stream.indirect.gather [spmem:s3], $0x40, s4, s17, $0xb8;
	[tilespmem:$0x1D000] =	vst v63  }
0x23: {  	s22 =	simm.s32 $0x2000;
	_ =	swait.ge [sflag:s16], $0x2000  }
0x24: {  	s23 =	sand.u32 $0x2000, s22;
	[sflag:s16] =	ssyncset.done $0x0  }
0x25: {  	s24 =	sand.u32 $0x2000, s4;
	s23 =	sor.u32 $0x5000, s23;
	[sflag:s16] =	ssyncadd.s32 $0xFFFFE000  }
0x26: {  	[tilespmem:s23], [sflag:$0x1] =	stream.indirect.gather [spmem:s3], $0x40, s17, s17, $0xb8;
	[tilespmem:$0x1D000] =	vst v63  }
0x27: {  	s31 =	sor.u32 $0x5000, s24  }
0x28: {  	[spmem:s2] =	stream.indirect.scatter.add.f32 [tilespmem:s31], [sflag:$0x2], $0x40, s21, s17, $0xb8;
	[tilespmem:$0x1D000] =	vst v63  }
0x29: {  	_ =	swait.ge [sflag:s11], $0x2000  }
0x2a: {  	[sflag:s11] =	ssyncset.done $0x0  }
0x2b: {  	s23 =	simm.s32 $0x80;
	[sflag:s11] =	ssyncadd.s32 $0xFFFFE000  }
.LBB2_2:
0x2c: {  	p0 =	sne.s32 s22, $0x9C000  }
0x2d: {  	_ =	swait.ge [sflag:s16], $0x2000;
	s24 =	smov.u32 s22;
	s22 =	sadd.s32 $0x2000, s22  }
0x2e: {  	s23 =	sadd.s32 $0x80, s23;
	s25 =	sand.u32 $0x2000, s22;
	[sflag:s16] =	ssyncset.done $0x0  }
0x2f: {  	s24 =	sand.u32 $0x2000, s24;
	s25 =	sor.u32 $0x5000, s25;
	[sflag:s16] =	ssyncadd.s32 $0xFFFFE000  }
0x30: {  	[tilespmem:s25], [sflag:$0x1] =	stream.indirect.gather [spmem:s3], $0x40, s23, s17, $0xb8;
	[tilespmem:$0x1D000] =	vst v63  }
.Ltmp0:
0x31: {  	s21 =	sadd.s32 $0x80, s21;
	s24 =	sor.u32 $0x5000, s24;
	(pc) =	sbr.rel @p0 .LBB2_2-.Ltmp0, $4  }
0x32: {  	[spmem:s2] =	stream.indirect.scatter.add.f32 [tilespmem:s24], [sflag:$0x2], $0x40, s21, s17, $0xb8;
	[tilespmem:$0x1D000] =	vst v63  }
0x33: {  	_ =	swait.ge [sflag:s11], $0x2000  }
0x34: {  	[sflag:s11] =	ssyncset.done $0x0  }
0x35: {  	[sflag:s11] =	ssyncadd.s32 $0xFFFFE000  }
0x36: {  	_ =	swait.ge [sflag:s16], $0x2000  }
0x37: {  	[sflag:s16] =	ssyncset.done $0x0  }
0x38: {  	[sflag:s16] =	ssyncadd.s32 $0xFFFFE000  }
0x39: {  	[spmem:s2] =	stream.indirect.scatter.add.f32 [tilespmem:s19], [sflag:$0x2], $0x40, s18, s17, $0xb8;
	[tilespmem:$0x1D000] =	vst v63  }
0x3a: {  	_ =	swait.ge [sflag:s11], $0x2000  }
0x3b: {  	s20 =	sadd.s32 $0x1, s20;
	[sflag:s11] =	ssyncset.done $0x0  }
0x3c: {  	p0 =	sne.s32 s20, s10;
	[sflag:s11] =	ssyncadd.s32 $0xFFFFE000  }
.Ltmp1:
0x3d: {  	[bflag:$0x0] =	sbarrier.arrive $0xFFFF;
	(pc) =	sbr.rel @p0 .LBB2_1-.Ltmp1, $4  }
0x3e: {  	[hbm:s9], [sflag:s12] =	dma.local [spmem:s13], $0x1400  }
0x3f: {  	_ =	swait.ge [sflag:s11], $0x1400  }
0x40: {  	[sflag:s11] =	ssyncset.done $0x0  }
0x41: {  	[sflag:s11] =	ssyncadd.s32 $0xFFFFEC00  }
0x42: {  	_ =	sfence.sel $0x180000  }
0x43: {  	[bflag:$0x0] =	sbarrier.arrive $0xFFFF  }
0x44: {  	p0 =	sne.s32 s0, $0x0;
	_ =	strace $0x9000004A  }
0x45: {  	s0 =	sadd.s32 @!p0 $0x100000, s1;
	[bflag:$0x2] =	sbarrier.arrive $0xFFFF  }
0x46: {  	[sflag:s0] =	ssyncadd.tile.s32 @!p0 $0x1;
	_ =	shalt  }
.Lfunc_end2:
_tile_overlayer_lowered:
.L_overlay_start_2:
0x47: {  	(tag) =	ssettag $0x2  }
0x48: {  	s0 =	rddreg [dreg:$0x0];
	s2 =	stileid.u32  }
0x49: {  	s1 =	rddreg [dreg:$0x1];
	p0 =	sne.s32 s2, $0x0  }
0x4a: {  	s3 =	rddreg [dreg:$0x2];
	[bflag:$0x3] =	sbarrier.arrive $0xFFFF;
	s2 =	simm.s32 @!p0 $0x1C02  }
0x4b: {  	[timem:s3], [sflag:s2] =	dma.local @!p0 [hbm:s0], s1  }
0x4c: {  	s0 =	simm.s32 @!p0 $0x2  }
0x4d: {  	_ =	swait.ge @!p0 [sflag:s0], s1  }
0x4e: {  	s1 =	ssub.s32 @!p0 $0x0, s1;
	[sflag:s0] =	ssyncset.done @!p0 $0x0  }
0x4f: {  	[sflag:s0] =	ssyncadd.s32 @!p0 s1  }
0x50: {  	[bflag:$0x3] =	sbarrier.arrive $0xFFFF  }
0x51: {  	_ =	shalt  }

// kernel: kernel.19.cloned.1.call-start
scs
__scs_entry_jumppad:
0x0: {  	(pc) =	sbr.rel $0x88, $3  }
0x1: {  	(tag) =	ssettag $0x0;
	lr =	simm.s32 $0x1  }
0x2: {  	[smem:$0x3F9B] =	sst lr;
	_ =	strace $0xD0000000  }
0x3: {  	_ = 	snop  }
0x4: {  	_ = 	snop  }
0x5: {  	_ = 	snop  }
0x6: {  	_ = 	snop  }
0x7: {  	_ = 	snop  }
__scs_overlays_trampoline_lowered:
0x8: {  	[smem:$0x3FAA] =	sst s0  }
0x9: {  	[smem:$0x3FAB] =	sst s1  }
0xa: {  	[smem:$0x3FAC] =	sst s2  }
0xb: {  	[smem:$0x3FAD] =	sst s3  }
0xc: {  	[smem:$0x3FAE] =	sst s4  }
0xd: {  	[smem:$0x3FAF] =	sst s5  }
0xe: {  	[smem:$0x3FB0] =	sst s6  }
0xf: {  	[smem:$0x3FB1] =	sst s7  }
0x10: {  	[smem:$0x3FB2] =	sst s8  }
0x11: {  	[smem:$0x3FB3] =	sst s9;
	s0 =	simm.s32 @!p0 $0x0  }
0x12: {  	s1 =	sld [smem:$0x3F99];
	s0 =	simm.s32 @p0 $0x1  }
0x13: {  	[smem:$0x3FB4] =	sst s0;
	s0 =	simm.s32 @!p1 $0x0  }
0x14: {  	s2 =	sld [smem:$0x3F98];
	s0 =	simm.s32 @p1 $0x1  }
0x15: {  	[smem:$0x3FB5] =	sst s0;
	s0 =	simm.s32 @!p2 $0x0  }
0x16: {  	s3 =	sld [smem:$0x3FDB];
	s0 =	simm.s32 @p2 $0x1  }
0x17: {  	s4 =	simm.s32 $0x1BF5;
	[smem:$0x3FB7] =	sst s0  }
0x18: {  	s0 =	sld [smem:$0x3F9A];
	_ =	swait.ge [sflag:s4], $0x0  }
0x19: {  	s7 =	sld [smem:$0x3F9B]  }
0x1a: {  	s8 =	sadd.s32 $0xFFFFE003, lr  }
0x1b: {  	s9 =	sadd.s32 $0xFFFFFEF7, lr;
	s5 =	simm.s32 $0xFFFFFFFF;
	p2 =	slt.u32 s8, $0xFFFFF086  }
0x1c: {  	p1 =	slt.u32 s9, $0xF7A;
	s5 =	simm.s32 @!p2 $0x0  }
0x1d: {  	s5 =	simm.s32 @p1 $0x1;
	p0 =	seq.s32 s7, s2  }
0x1e: {  	s7 =	smul.u32 @!p0 $0xF7A, s2;
	p2 =	seq.s32 @!p0 s5, $0x0  }
0x1f: {  	s9 =	smul.u32 $0xF7A, s1;
	s8 =	simm.s32 @!p0 $0x1BF5;
	p2 =	por !p2, p0  }
0x20: {  	[sflag:s8] =	ssyncset.s32 @!p0 $0xFFFFF086;
	s6 =	sadd.s32 @!p0 s3, s7;
	s7 =	simm.s32 @!p0 $0x108  }
0x21: {  	s3 =	sadd.s32 s3, s9;
	s6 =	sadd.s32 @!p0 $0x88, s6;
	s7 =	simm.s32 @p2 $0x1082  }
0x22: {  	[simem:s7], [sflag:s8] =	dma.local @!p0 [hbm:s6], $0xF7A  }
0x23: {  	s9 =	sor.u32 $0xD0000000, s2;
	s6 =	simm.s32 $0x108;
	_ =	swait.ge @!p0 [sflag:s8], $0x0  }
0x24: {  	s3 =	sadd.s32 $0x88, s3;
	s6 =	simm.s32 @!p1 $0x1082;
	[sflag:s4] =	ssyncset.s32 $0xFFFFF086  }
0x25: {  	[simem:s6], [sflag:s4] =	dma.local [hbm:s3], $0xF7A  }
0x26: {  	[smem:$0x3F9B] =	sst s1;
	(tag) =	ssettag s2;
	_ =	strace s9  }
0x27: {  	s1 =	sld [smem:$0x3FAB]  }
0x28: {  	s2 =	sld [smem:$0x3FAC]  }
0x29: {  	s4 =	sld [smem:$0x3FAE]  }
0x2a: {  	p0 =	seq.s32 s5, $0x0;
	s5 =	sld [smem:$0x3FAF]  }
0x2b: {  	s6 =	sld [smem:$0x3FB0]  }
0x2c: {  	s7 =	sld [smem:$0x3FB1]  }
0x2d: {  	s3 =	simm.s32 $0x108;
	s8 =	sld [smem:$0x3FB2]  }
0x2e: {  	s3 =	simm.s32 @!p0 $0x1082;
	s9 =	sld [smem:$0x3FB3]  }
0x2f: {  	lr =	sadd.s32 s0, s3;
	s0 =	sld [smem:$0x3FAA]  }
0x30: {  	s3 =	sld [smem:$0x3FAD]  }
0x31: {  	[smem:$0x3FB6] =	sst s10  }
0x32: {  	s10 =	sld [smem:$0x3FB4];
	_ =	sdelay $0x3  }
0x33: {  	p0 =	seq.s32 s10, $0x1;
	s10 =	sld [smem:$0x3FB6];
	_ =	sdelay $0x3  }
0x34: {  	[smem:$0x3FB6] =	sst s10  }
0x35: {  	s10 =	sld [smem:$0x3FB5];
	_ =	sdelay $0x3  }
0x36: {  	p1 =	seq.s32 s10, $0x1;
	s10 =	sld [smem:$0x3FB6];
	_ =	sdelay $0x3  }
0x37: {  	[smem:$0x3FB6] =	sst s10  }
0x38: {  	s10 =	sld [smem:$0x3FB7]  }
0x39: {  	_ = 	snop;
	(pc) =	sbr.ind lr, $3  }
0x3a: {  	_ = 	snop  }
0x3b: {  	_ = 	snop  }
0x3c: {  	p2 =	seq.s32 s10, $0x1;
	s10 =	sld [smem:$0x3FB6]  }
0x3d: {  	_ =	shalt  }
0x3e: {  	_ =	shalt  }
0x3f: {  	_ =	shalt  }
0x40: {  	_ =	shalt  }
0x41: {  	_ =	shalt  }
0x42: {  	_ =	shalt  }
0x43: {  	_ =	shalt  }
0x44: {  	_ =	shalt  }
0x45: {  	_ =	shalt  }
0x46: {  	_ =	shalt  }
0x47: {  	_ =	shalt  }
0x48: {  	_ =	shalt  }
0x49: {  	_ =	shalt  }
0x4a: {  	_ =	shalt  }
0x4b: {  	_ =	shalt  }
0x4c: {  	_ =	shalt  }
0x4d: {  	_ =	shalt  }
0x4e: {  	_ =	shalt  }
0x4f: {  	_ =	shalt  }
0x50: {  	_ =	shalt  }
0x51: {  	_ =	shalt  }
0x52: {  	_ =	shalt  }
0x53: {  	_ =	shalt  }
0x54: {  	_ =	shalt  }
0x55: {  	_ =	shalt  }
0x56: {  	_ =	shalt  }
0x57: {  	_ =	shalt  }
0x58: {  	_ =	shalt  }
0x59: {  	_ =	shalt  }
0x5a: {  	_ =	shalt  }
0x5b: {  	_ =	shalt  }
0x5c: {  	_ =	shalt  }
0x5d: {  	_ =	shalt  }
0x5e: {  	_ =	shalt  }
0x5f: {  	_ =	shalt  }
0x60: {  	_ =	shalt  }
0x61: {  	_ =	shalt  }
0x62: {  	_ =	shalt  }
0x63: {  	_ =	shalt  }
0x64: {  	_ =	shalt  }
0x65: {  	_ =	shalt  }
0x66: {  	_ =	shalt  }
0x67: {  	_ =	shalt  }
0x68: {  	_ =	shalt  }
0x69: {  	_ =	shalt  }
0x6a: {  	_ =	shalt  }
0x6b: {  	_ =	shalt  }
0x6c: {  	_ =	shalt  }
0x6d: {  	_ =	shalt  }
0x6e: {  	_ =	shalt  }
0x6f: {  	_ =	shalt  }
0x70: {  	_ =	shalt  }
0x71: {  	_ =	shalt  }
0x72: {  	_ =	shalt  }
0x73: {  	_ =	shalt  }
0x74: {  	_ =	shalt  }
0x75: {  	_ =	shalt  }
0x76: {  	_ =	shalt  }
0x77: {  	_ =	shalt  }
0x78: {  	_ =	shalt  }
0x79: {  	_ =	shalt  }
0x7a: {  	_ =	shalt  }
0x7b: {  	_ =	shalt  }
0x7c: {  	_ =	shalt  }
0x7d: {  	_ =	shalt  }
0x7e: {  	_ =	shalt  }
0x7f: {  	_ =	shalt  }
0x80: {  	_ =	shalt  }
0x81: {  	_ =	shalt  }
0x82: {  	_ =	shalt  }
0x83: {  	_ =	shalt  }
0x84: {  	_ =	shalt  }
0x85: {  	_ =	shalt  }
0x86: {  	_ =	shalt  }
0x87: {  	_ =	shalt  }
.Lfunc_end0:
.L_simem_size_0:
called_computation.3_lowered:
.L_overlay_start_0:
0x88: {  	s2 =	sld [smem:$0x3FD9]  }
0x89: {  	s3 =	sld [smem:$0x3FFE];
	_ =	sdelay $0x1  }
0x8a: {  	s1 =	srdreg.scid  }
0x8b: {  	s0 =	sand.u32 $0x1, s1  }
0x8c: {  	s17 =	sshll.u32 s0, $0xA;
	s2 =	sadd.s32 s3, s2  }
0x8d: {  	s2 =	sadd.s32 s2, s17  }
0x8e: {  	[smem:$0x3FC2] =	sst s2  }
0x8f: {  	_ = 	snop  }
0x90: {  	s2 =	sld [smem:$0x3FD0];
	(tm) =	ssettm $0x1  }
0x91: {  	s18 =	sld [smem:$0x3FFB];
	_ =	sdelay $0x3  }
0x92: {  	_ =	strace s18  }
0x93: {  	s3 =	sld [smem:$0x3FFC];
	_ =	sdelay $0x3  }
0x94: {  	_ =	strace s3  }
0x95: {  	s3 =	sld [smem:$0x3FFD];
	_ =	sdelay $0x3  }
0x96: {  	_ =	strace s3  }
0x97: {  	_ =	strace $0x8FFFFFFF  }
0x98: {  	s19 =	sld [smem:$0x3FDB];
	_ =	sdelay $0x1  }
0x99: {  	s4 =	simm.s32 $_scs_section_size  }
0x9a: {  	s5 =	simm.s32 $_size__tile_overlayer_lowered;
	s6 =	simm.s32 $_tile_overlayer_lowered  }
0x9b: {  	s22 =	simm.s32 $0x1BFF;
	s21 =	sshll.u32 s6, $0x1;
	s3 =	sadd.s32 s4, s19  }
0x9c: {  	s7 =	simm.s32 $0x0;
	s20 =	sshll.u32 s5, $0x1;
	s5 =	sadd.s32 s21, s3  }
0x9d: {  	[timem:s7], [sflag:s22] =	dma.local [hbm:s5], s20  }
0x9e: {  	_ =	swait.ge [sflag:s22], s20  }
0x9f: {  	s4 =	ssub.s32 $0x0, s20;
	[sflag:s22] =	ssyncset.done $0x0  }
0xa0: {  	[sflag:s22] =	ssyncadd.s32 s4;
	_ =	sdelay $0x1  }
0xa1: {  	s23 =	simm.s32 $0x1B8B  }
0xa2: {  	_ =	swait.ge [sflag:s23], $0x1  }
0xa3: {  	[sflag:s23] =	ssyncset.done $0x0  }
0xa4: {  	s25 =	simm.s32 $0x1B8E;
	s24 =	sld [smem:$0x3FFE];
	[sflag:s23] =	ssyncadd.s32 $0xFFFFFFFF  }
0xa5: {  	s26 =	simm.s32 $execute0_lowered;
	[smem:$0x3FD2] =	sst s25  }
0xa6: {  	s5 =	sshll.u32 s26, $0x1;
	_ =	strace $0x8000004F;
	[dreg:$0x1] =	wrdreg $0xFFFFFFFF  }
0xa7: {  	s28 =	simm.s32 $_size_execute0_lowered;
	s3 =	sadd.s32 s3, s5;
	[dreg:$0x0] =	wrdreg $0x0  }
0xa8: {  	s5 =	sshll.u32 s28, $0x1;
	[dreg:$0x2] =	wrdreg s3  }
0xa9: {  	[dreg:$0x3] =	wrdreg s5  }
0xaa: {  	[dreg:$0x4] =	wrdreg $0xC0  }
0xab: {  	_ =	task [dreg:s7], $0x5FFFF  }
0xac: {  	[dreg:$0x1] =	wrdreg $0xFFFFFFFF  }
0xad: {  	[dreg:$0x0] =	wrdreg $0x60  }
0xae: {  	[dreg:$0x2] =	wrdreg s24  }
0xaf: {  	[dreg:$0x3] =	wrdreg s2  }
0xb0: {  	[dreg:$0x4] =	wrdreg $0x130000  }
0xb1: {  	[dreg:$0x5] =	wrdreg $0x90000  }
0xb2: {  	[dreg:$0x6] =	wrdreg $0x9  }
0xb3: {  	_ =	task.clear_ibuf [dreg:s7], $0x7FFFF;
	_ =	strace $0x9000004F  }
0xb4: {  	s29 =	simm.s32 $0x9;
	_ =	strace $0x80000051  }
0xb5: {  	_ =	swait.ge [sflag:s29], $0x1  }
0xb6: {  	[sflag:s29] =	ssyncadd.s32 $0xFFFFFFFF  }
0xb7: {  	_ =	strace $0x90000051  }
0xb8: {  	_ =	sfence  }
0xb9: {  	s30 =	sld [smem:$0x0];
	_ =	sdelay $0x2  }
0xba: {  	s31 =	sshll.u32 s1, $0xD;
	s1 =	sshrl.u32 s1, $0x2  }
0xbb: {  	s3 =	sand.u32 $0x4000, s31;
	s1 =	sadd.s32 s1, s30  }
0xbc: {  	s0 =	sor.u32 s3, s0;
	s1 =	sshll.u32 s1, $0x11  }
0xbd: {  	s0 =	sor.u32 s1, s0  }
0xbe: {  	s0 =	sadd.s32 $0x8F2B, s0  }
0xbf: {  	[sflag:s0] =	ssyncadd.remote.s32 $0x1  }
0xc0: {  	_ =	sfence.sel $0xFFFF  }
0xc1: {  	[dreg:$0x0] =	wrdreg $0xFFFFFFFF;
	(pc) =	sbr.abs _section_cstart, $3  }
0xc2: {  	[dreg:$0x1] =	wrdreg $0xFFFFFFFF  }
0xc3: {  	_ =	task.clear_ibuf [dreg:s7], $0x2FFFF;
	_ =	strace $0x9FFFFFFF  }
0xc4: {  	(tm) =	ssettm $0x7FFFFFFF  }
0xc5: {  	_ =	shalt  }
tec
execute0_lowered:
.L_overlay_start_1:
0x0: {  	(tag) =	ssettag $0x1  }
0x1: {  	s6 =	rddreg [dreg:$0x0]  }
0x2: {  	s0 =	stileid.u32;
	s7 =	rddreg [dreg:$0x1]  }
0x3: {  	s1 =	srdreg.scid;
	s2 =	rddreg [dreg:$0x2]  }
0x4: {  	s3 =	rddreg [dreg:$0x3];
	s4 =	simm.s32 $0x0;
	s15 =	simm.s32 $0x5000  }
0x5: {  	s16 =	simm.s32 $0x1;
	s17 =	simm.s32 $0x80;
	s18 =	simm.s32 $0x4F80  }
0x6: {  	s19 =	simm.s32 $0x7000;
	s20 =	simm.s32 $0x0;
	s8 =	smul.u32 $0xA000, s0  }
0x7: {  	s5 =	sand.u32 $0x1, s1;
	s26 =	sshll.u32 s0, $0x1;
	s10 =	smul.u32 $0x1400, s0  }
0x8: {  	[smem:$0x7FF] =	sst s4;
	s31 =	sshll.u32 s0, $0x6;
	s1 =	sor.u32 s5, s26  }
0x9: {  	s12 =	smul.u32 $0x14000, s5;
	s13 =	ssub.s32 $0x2, s5;
	s5 =	sadd.s32 $0xC200, s6  }
0xa: {  	s9 =	smul.u32 $0x500, s1;
	s1 =	rddreg [dreg:$0x4];
	s11 =	sshrl.u32 s8, $0x3  }
0xb: {  	_ =	strace $0x80000050;
	s28 =	sshrl.u32 s13, $0x1;
	s29 =	sadd.s32 s8, s2  }
0xc: {  	s30 =	sadd.s32 s8, s3;
	s11 =	sadd.s32 s11, s6;
	s10 =	sadd.s32 s10, s12  }
0xd: {  	s12 =	ssub.s32 s13, s28;
	s13 =	sshrl.u32 s29, $0x3;
	s14 =	sadd.s32 s9, s6  }
0xe: {  	s10 =	sadd.s32 s10, s6;
	s7 =	sadd.s32 s7, s9;
	s8 =	sadd.s32 $0xD600, s11  }
0xf: {  	s11 =	simm.s32 $0x2;
	s6 =	sadd.s32 $0x2200, s14;
	s9 =	sadd.s32 $0x21600, s10  }
0x10: {  	s10 =	smax.u32 s12, $0x1;
	s12 =	sor.u32 $0x1C02, s31;
	s14 =	sshrl.u32 s30, $0x3  }
.LBB2_1:
0x11: {  	[tilespmem:s4], [sflag:$0x2] =	stream.linear.gather [hbm4b:s6+s4], $0x2800, $0x38;
	[tilespmem:$0x1D000] =	vst v63  }
0x12: {  	_ =	swait.ge [sflag:s11], $0x2800  }
0x13: {  	[sflag:s11] =	ssyncset.done $0x0  }
0x14: {  	s21 =	simm.s32 $0x2800;
	[sflag:s11] =	ssyncadd.s32 $0xFFFFD800  }
0x15: {  	[tilespmem:s21], [sflag:$0x2] =	stream.linear.gather [hbm4b:s7+s4], $0x2800, $0x38;
	[tilespmem:$0x1D000] =	vst v63  }
0x16: {  	_ =	swait.ge [sflag:s11], $0x2800  }
0x17: {  	[sflag:s11] =	ssyncset.done $0x0  }
0x18: {  	[sflag:s11] =	ssyncadd.s32 $0xFFFFD800  }
0x19: {  	[spmem:s13], [sflag:s12] =	dma.local [hbm:s5], $0x1400  }
0x1a: {  	_ =	swait.ge [sflag:s11], $0x1400  }
0x1b: {  	[sflag:s11] =	ssyncset.done $0x0  }
0x1c: {  	[sflag:s11] =	ssyncadd.s32 $0xFFFFEC00  }
0x1d: {  	[spmem:s14], [sflag:s12] =	dma.local [hbm:s8], $0x1400  }
0x1e: {  	_ =	swait.ge [sflag:s11], $0x1400  }
0x1f: {  	[sflag:s11] =	ssyncset.done $0x0  }
0x20: {  	[sflag:s11] =	ssyncadd.s32 $0xFFFFEC00  }
0x21: {  	[bflag:$0x0] =	sbarrier.arrive $0xFFFF  }
0x22: {  	[tilespmem:s15], [sflag:$0x1] =	stream.indirect.gather [spmem:s3], $0x40, s4, s17, $0xb8;
	[tilespmem:$0x1D000] =	vst v63  }
0x23: {  	s22 =	simm.s32 $0x2000;
	_ =	swait.ge [sflag:s16], $0x2000  }
0x24: {  	s23 =	sand.u32 $0x2000, s22;
	[sflag:s16] =	ssyncset.done $0x0  }
0x25: {  	s24 =	sand.u32 $0x2000, s4;
	s23 =	sor.u32 $0x5000, s23;
	[sflag:s16] =	ssyncadd.s32 $0xFFFFE000  }
0x26: {  	[tilespmem:s23], [sflag:$0x1] =	stream.indirect.gather [spmem:s3], $0x40, s17, s17, $0xb8;
	[tilespmem:$0x1D000] =	vst v63  }
0x27: {  	s31 =	sor.u32 $0x5000, s24  }
0x28: {  	[spmem:s2] =	stream.indirect.scatter.add.f32 [tilespmem:s31], [sflag:$0x2], $0x40, s21, s17, $0xb8;
	[tilespmem:$0x1D000] =	vst v63  }
0x29: {  	_ =	swait.ge [sflag:s11], $0x2000  }
0x2a: {  	[sflag:s11] =	ssyncset.done $0x0  }
0x2b: {  	s23 =	simm.s32 $0x80;
	[sflag:s11] =	ssyncadd.s32 $0xFFFFE000  }
.LBB2_2:
0x2c: {  	p0 =	sne.s32 s22, $0x9C000  }
0x2d: {  	_ =	swait.ge [sflag:s16], $0x2000;
	s24 =	smov.u32 s22;
	s22 =	sadd.s32 $0x2000, s22  }
0x2e: {  	s23 =	sadd.s32 $0x80, s23;
	s25 =	sand.u32 $0x2000, s22;
	[sflag:s16] =	ssyncset.done $0x0  }
0x2f: {  	s24 =	sand.u32 $0x2000, s24;
	s25 =	sor.u32 $0x5000, s25;
	[sflag:s16] =	ssyncadd.s32 $0xFFFFE000  }
0x30: {  	[tilespmem:s25], [sflag:$0x1] =	stream.indirect.gather [spmem:s3], $0x40, s23, s17, $0xb8;
	[tilespmem:$0x1D000] =	vst v63  }
.Ltmp0:
0x31: {  	s21 =	sadd.s32 $0x80, s21;
	s24 =	sor.u32 $0x5000, s24;
	(pc) =	sbr.rel @p0 .LBB2_2-.Ltmp0, $4  }
0x32: {  	[spmem:s2] =	stream.indirect.scatter.add.f32 [tilespmem:s24], [sflag:$0x2], $0x40, s21, s17, $0xb8;
	[tilespmem:$0x1D000] =	vst v63  }
0x33: {  	_ =	swait.ge [sflag:s11], $0x2000  }
0x34: {  	[sflag:s11] =	ssyncset.done $0x0  }
0x35: {  	[sflag:s11] =	ssyncadd.s32 $0xFFFFE000  }
0x36: {  	_ =	swait.ge [sflag:s16], $0x2000  }
0x37: {  	[sflag:s16] =	ssyncset.done $0x0  }
0x38: {  	[sflag:s16] =	ssyncadd.s32 $0xFFFFE000  }
0x39: {  	[spmem:s2] =	stream.indirect.scatter.add.f32 [tilespmem:s19], [sflag:$0x2], $0x40, s18, s17, $0xb8;
	[tilespmem:$0x1D000] =	vst v63  }
0x3a: {  	_ =	swait.ge [sflag:s11], $0x2000  }
0x3b: {  	s20 =	sadd.s32 $0x1, s20;
	[sflag:s11] =	ssyncset.done $0x0  }
0x3c: {  	p0 =	sne.s32 s20, s10;
	[sflag:s11] =	ssyncadd.s32 $0xFFFFE000  }
.Ltmp1:
0x3d: {  	[bflag:$0x0] =	sbarrier.arrive $0xFFFF;
	(pc) =	sbr.rel @p0 .LBB2_1-.Ltmp1, $4  }
0x3e: {  	[hbm:s9], [sflag:s12] =	dma.local [spmem:s13], $0x1400  }
0x3f: {  	_ =	swait.ge [sflag:s11], $0x1400  }
0x40: {  	[sflag:s11] =	ssyncset.done $0x0  }
0x41: {  	[sflag:s11] =	ssyncadd.s32 $0xFFFFEC00  }
0x42: {  	_ =	sfence.sel $0x180000  }
0x43: {  	[bflag:$0x0] =	sbarrier.arrive $0xFFFF  }
0x44: {  	p0 =	sne.s32 s0, $0x0;
	_ =	strace $0x90000050  }
0x45: {  	s0 =	sadd.s32 @!p0 $0x100000, s1;
	[bflag:$0x2] =	sbarrier.arrive $0xFFFF  }
0x46: {  	[sflag:s0] =	ssyncadd.tile.s32 @!p0 $0x1;
	_ =	shalt  }
.Lfunc_end2:
_tile_overlayer_lowered:
.L_overlay_start_2:
0x47: {  	(tag) =	ssettag $0x2  }
0x48: {  	s0 =	rddreg [dreg:$0x0];
	s2 =	stileid.u32  }
0x49: {  	s1 =	rddreg [dreg:$0x1];
	p0 =	sne.s32 s2, $0x0  }
0x4a: {  	s3 =	rddreg [dreg:$0x2];
	[bflag:$0x3] =	sbarrier.arrive $0xFFFF;
	s2 =	simm.s32 @!p0 $0x1C02  }
0x4b: {  	[timem:s3], [sflag:s2] =	dma.local @!p0 [hbm:s0], s1  }
0x4c: {  	s0 =	simm.s32 @!p0 $0x2  }
0x4d: {  	_ =	swait.ge @!p0 [sflag:s0], s1  }
0x4e: {  	s1 =	ssub.s32 @!p0 $0x0, s1;
	[sflag:s0] =	ssyncset.done @!p0 $0x0  }
0x4f: {  	[sflag:s0] =	ssyncadd.s32 @!p0 s1  }
0x50: {  	[bflag:$0x3] =	sbarrier.arrive $0xFFFF  }
0x51: {  	_ =	shalt  }

</sc_bundles>
